<compile_context>
chip_gen: v7x
topology: tpu7x:2x2x1
jax: 0.10.2.dev20260603
libtpu: 0.0.44.dev20260713+nightly
codegen_flags: <defaults>
</compile_context>

<pallas_src>
import functools

import jax
import jax.numpy as jnp
from jax import lax
from jax.experimental import pallas as pl
from jax.experimental.pallas import tpu as pltpu
from jax.experimental.pallas import tpu_sc as plsc

ALPHA = 0.3
_BS = 1024
_L = 16
_NT = 16


def _copy_body(hid_ref, out_ref):
    out_ref[...] = hid_ref[...]


def _tc_copy(flat):
    rows, d = flat.shape
    return pl.pallas_call(
        _copy_body,
        grid=(rows // _BS,),
        in_specs=[pl.BlockSpec((_BS, d), lambda i: (i, 0))],
        out_specs=pl.BlockSpec((_BS, d), lambda i: (i, 0)),
        out_shape=jax.ShapeDtypeStruct((rows, d), flat.dtype),
    )(flat)


def _sc_body(hid_ref, attr_ref, out_ref, h_v, attr_v, row_v, stage_v, shared_v,
             gather_idx_v, win_v, sem):
    rows, d = hid_ref.shape
    k = attr_ref.shape[0]
    nchunk = d // _L
    per_tile = k // _NT
    half = per_tile // 2

    wid = lax.axis_index("s")

    pltpu.sync_copy(hid_ref.at[rows // 2 - 1], h_v.at[0])
    pltpu.sync_copy(hid_ref.at[rows - 1], h_v.at[1])

    def score_half(hf, carry):
        base = wid * per_tile + hf * half
        pltpu.sync_copy(attr_ref.at[pl.ds(base, half)], attr_v)

        def one_attr(a, c):
            bs0, bi0, bs1, bi1 = c

            z = jnp.zeros((_L,), jnp.float32)

            def dot_chunks(step, accs):
                a00, a01, a10, a11 = accs
                for u in range(4):
                    off = (step * 4 + u) * _L
                    av = attr_v[a, pl.ds(off, _L)]
                    if u % 2 == 0:
                        a00 = a00 + av * h_v[0, pl.ds(off, _L)]
                        a10 = a10 + av * h_v[1, pl.ds(off, _L)]
                    else:
                        a01 = a01 + av * h_v[0, pl.ds(off, _L)]
                        a11 = a11 + av * h_v[1, pl.ds(off, _L)]
                return a00, a01, a10, a11

            a00, a01, a10, a11 = lax.fori_loop(
                0, nchunk // 4, dot_chunks, (z, z, z, z))
            s0 = plsc.cumsum(a00 + a01)[_L - 1]
            s1 = plsc.cumsum(a10 + a11)[_L - 1]
            gidx = base + a
            better0 = s0 > bs0
            better1 = s1 > bs1
            bs0 = jnp.where(better0, s0, bs0)
            bi0 = jnp.where(better0, gidx, bi0)
            bs1 = jnp.where(better1, s1, bs1)
            bi1 = jnp.where(better1, gidx, bi1)
            return bs0, bi0, bs1, bi1

        return lax.fori_loop(0, half, one_attr, carry)

    neg = jnp.float32(-3e38)
    best = (neg, jnp.int32(0), neg, jnp.int32(0))
    best = score_half(0, best)
    bs0, bi0, bs1, bi1 = score_half(1, best)

    lane = lax.iota(jnp.int32, _L)
    pub = jnp.where(lane == 0, bs0,
                    jnp.where(lane == 1, bs1,
                              jnp.where(lane == 2, bi0.astype(jnp.float32),
                                        jnp.where(lane == 3,
                                                  bi1.astype(jnp.float32),
                                                  0.0))))
    stage_v[...] = pub
    pltpu.sync_copy(stage_v, shared_v.at[wid])
    plsc.subcore_barrier()
    pltpu.sync_copy(shared_v, win_v)

    gbs0, gbi0 = neg, jnp.int32(0)
    gbs1, gbi1 = neg, jnp.int32(0)
    for t in range(_NT):
        rv = win_v[t, :]
        v0 = rv[0]
        v1 = rv[1]
        i0 = rv[2].astype(jnp.int32)
        i1 = rv[3].astype(jnp.int32)
        b0 = v0 > gbs0
        b1 = v1 > gbs1
        gbs0 = jnp.where(b0, v0, gbs0)
        gbi0 = jnp.where(b0, i0, gbi0)
        gbs1 = jnp.where(b1, v1, gbs1)
        gbi1 = jnp.where(b1, i1, gbi1)

    def finalize(b, gidx):
        @pl.when(wid == gidx // per_tile)
        def _():
            gather_idx_v[...] = jnp.full((_L,), gidx, jnp.int32)
            pltpu.async_copy(attr_ref.at[gather_idx_v], row_v, sem).wait()
            pltpu.sync_copy(row_v.at[0], out_ref.at[b])

    finalize(0, gbi0)
    finalize(1, gbi1)


def _sc_rows(flat, attractors):
    d = flat.shape[1]
    k = attractors.shape[0]
    half = k // _NT // 2
    mesh = plsc.VectorSubcoreMesh(
        core_axis_name="c", subcore_axis_name="s", num_cores=1)
    f = pl.kernel(
        _sc_body,
        out_type=jax.ShapeDtypeStruct((2, d), jnp.float32),
        mesh=mesh,
        compiler_params=pltpu.CompilerParams(needs_layout_passes=False),
        scratch_types=[
            pltpu.VMEM((2, d), jnp.float32),
            pltpu.VMEM((half, d), jnp.float32),
            pltpu.VMEM((_L, d), jnp.float32),
            pltpu.VMEM((_L,), jnp.float32),
            pltpu.VMEM_SHARED((_NT, _L), jnp.float32),
            pltpu.VMEM((_L,), jnp.int32),
            pltpu.VMEM((_NT, _L), jnp.float32),
            pltpu.SemaphoreType.DMA,
        ],
    )
    return f(flat, attractors)


def _merge_body(cp_ref, rows_ref, out_ref):
    i = pl.program_id(0)
    out_ref[...] = cp_ref[...]
    h = cp_ref[7, :]
    norm = jnp.sqrt(jnp.sum(h * h))
    out_ref[7, :] = (1.0 - ALPHA) * h + (ALPHA * norm) * rows_ref[i, :]


def _merge(copied, new_rows):
    rows, d = copied.shape
    nblk = rows // 8
    return pl.pallas_call(
        _merge_body,
        grid=(2,),
        in_specs=[
            pl.BlockSpec((8, d), lambda i: ((i + 1) * (nblk // 2) - 1, 0)),
            pl.BlockSpec((2, d), lambda i: (0, 0)),
        ],
        out_specs=pl.BlockSpec((8, d), lambda i: ((i + 1) * (nblk // 2) - 1, 0)),
        out_shape=jax.ShapeDtypeStruct((rows, d), copied.dtype),
        input_output_aliases={0: 0},
    )(copied, new_rows)


def kernel(hidden_states, attractors):
    b, s, d = hidden_states.shape
    flat = hidden_states.reshape(b * s, d)
    copied = _tc_copy(flat)
    new_rows = _sc_rows(flat, attractors)
    out = _merge(copied, new_rows)
    return out.reshape(b, s, d)

# --- scband reference (transcript-rebuilt; emitter-appended) ---
"""Pipeline reference for scband-raw-space-watcher-54443005444404 (READ-ONLY COPY).

The authoritative reference and input builder live on the scoring server;
editing this copy changes nothing except your own understanding.
"""

import jax, jax.numpy as jnp
import numpy as np

ALPHA = 0.3

def setup_inputs(seed: int = 0) -> dict:
    key = jax.random.key(seed)
    k1, k2 = jax.random.split(key)
    hidden_states = jax.random.normal(k1, (2, 8192, 2048), dtype=jnp.float32)
    attr = jax.random.normal(k2, (1024, 2048), dtype=jnp.float32)
    # adapt() stores L2-normalized centroids into the attractors buffer
    attractors = attr / jnp.maximum(jnp.linalg.norm(attr, axis=-1, keepdims=True), 1e-12)
    return {"hidden_states": hidden_states, "attractors": attractors}

def reference(hidden_states, attractors):
    # steer(): intervene on the last-token hidden state, pulling it toward the
    # nearest (cosine) attractor in raw space, scaled by alpha and |h|.
    h = hidden_states[:, -1, :]
    h_norm = h / jnp.maximum(jnp.linalg.norm(h, axis=-1, keepdims=True), 1e-12)
    sims = h_norm @ attractors.T
    best_idx = jnp.argmax(sims, axis=-1)
    nearest_attractor = jnp.take(attractors, best_idx, axis=0)
    delta = nearest_attractor - h_norm
    h_mag = jnp.linalg.norm(h, axis=-1, keepdims=True)
    intervention = ALPHA * delta * h_mag
    modified_states = hidden_states.at[:, -1, :].set(h + intervention)
    return modified_states

if __name__ == "__main__":
    import jax
    _d = setup_inputs()
    print(jax.jit(kernel)(*tuple(_d.values())))

</pallas_src>

<mosaic_0001>
#map = affine_map<(d0, d1) -> (0, 0)>
module attributes {stable_mosaic.version = 14 : i64} {
  func.func @_sc_body(%arg0: i32, %arg1: i32, %arg2: memref<16384x2048xf32, #tpu.memory_space<hbm>>, %arg3: memref<1024x2048xf32, #tpu.memory_space<hbm>>, %arg4: memref<2x2048xf32, #tpu.memory_space<hbm>>, %arg5: memref<2x2048xf32, #tpu.memory_space<vmem>>, %arg6: memref<32x2048xf32, #tpu.memory_space<vmem>>, %arg7: memref<16x2048xf32, #tpu.memory_space<vmem>>, %arg8: memref<16xf32, #tpu.memory_space<vmem>>, %arg9: memref<16x16xf32, #tpu.memory_space<vmem_shared>>, %arg10: memref<16xi32, #tpu.memory_space<vmem>>, %arg11: memref<16x16xf32, #tpu.memory_space<vmem>>, %arg12: memref<!tpu.dma_semaphore, #tpu.memory_space<semaphore_mem>>) attributes {dimension_semantics = [#tpu.dimension_semantics<core_parallel>, #tpu.dimension_semantics<subcore_parallel>], iteration_bounds = array<i64: 1, 16>, scalar_prefetch = 0 : i64, scratch_operands = 8 : i64, tpu.core_type = #tpu.core_type<sc_vector_subcore>, window_params = [{transform_indices = #map}, {transform_indices = #map}, {transform_indices = #map}]} {
    %run_scoped3A = arith.constant 8191 : i32
    %run_scoped3A_0 = arith.constant 0 : i32
    "tpu.region"() ({
      %run_scoped3A_415 = tpu.sem_alloc : memref<!tpu.dma_semaphore, #tpu.memory_space<semaphore_mem>>
      %dma_start3A = arith.constant 0 : i32
      %dma_start3A_416 = tpu.memref_slice %arg5[%run_scoped3A_0, %dma_start3A] : memref<2x2048xf32, #tpu.memory_space<vmem>> -> memref<1x2048xf32, #tpu.memory_space<vmem>>
      %dma_start3A_417 = tpu.memref_squeeze %dma_start3A_416 : memref<1x2048xf32, #tpu.memory_space<vmem>> -> memref<2048xf32, #tpu.memory_space<vmem>>
      %dma_start3A_418 = arith.constant 0 : i32
      %dma_start3A_419 = tpu.memref_slice %arg2[%run_scoped3A, %dma_start3A_418] : memref<16384x2048xf32, #tpu.memory_space<hbm>> -> memref<1x2048xf32, #tpu.memory_space<hbm>>
      %dma_start3A_420 = tpu.memref_squeeze %dma_start3A_419 : memref<1x2048xf32, #tpu.memory_space<hbm>> -> memref<2048xf32, #tpu.memory_space<hbm>>
      %dma_start3A_421 = arith.constant 0 : i32
      %dma_start3A_422 = tpu.memref_slice %arg5[%run_scoped3A_0, %dma_start3A_421] : memref<2x2048xf32, #tpu.memory_space<vmem>> -> memref<1x2048xf32, #tpu.memory_space<vmem>>
      %dma_start3A_423 = tpu.memref_squeeze %dma_start3A_422 : memref<1x2048xf32, #tpu.memory_space<vmem>> -> memref<2048xf32, #tpu.memory_space<vmem>>
      %dma_start3A_424 = arith.constant 0 : i32
      %dma_start3A_425 = tpu.memref_slice %arg2[%run_scoped3A, %dma_start3A_424] : memref<16384x2048xf32, #tpu.memory_space<hbm>> -> memref<1x2048xf32, #tpu.memory_space<hbm>>
      %dma_start3A_426 = tpu.memref_squeeze %dma_start3A_425 : memref<1x2048xf32, #tpu.memory_space<hbm>> -> memref<2048xf32, #tpu.memory_space<hbm>>
      tpu.enqueue_dma source(%dma_start3A_426 : memref<2048xf32, #tpu.memory_space<hbm>>) target(%dma_start3A_423 : memref<2048xf32, #tpu.memory_space<vmem>>) target_semaphore(%run_scoped3A_415 : memref<!tpu.dma_semaphore, #tpu.memory_space<semaphore_mem>>)
      %dma_wait3A = arith.constant 0 : i32
      %dma_wait3A_427 = tpu.memref_slice %arg5[%run_scoped3A_0, %dma_wait3A] : memref<2x2048xf32, #tpu.memory_space<vmem>> -> memref<1x2048xf32, #tpu.memory_space<vmem>>
      %dma_wait3A_428 = tpu.memref_squeeze %dma_wait3A_427 : memref<1x2048xf32, #tpu.memory_space<vmem>> -> memref<2048xf32, #tpu.memory_space<vmem>>
      %dma_wait3A_429 = arith.constant 0 : i32
      %dma_wait3A_430 = tpu.memref_slice %arg2[%run_scoped3A, %dma_wait3A_429] : memref<16384x2048xf32, #tpu.memory_space<hbm>> -> memref<1x2048xf32, #tpu.memory_space<hbm>>
      %dma_wait3A_431 = tpu.memref_squeeze %dma_wait3A_430 : memref<1x2048xf32, #tpu.memory_space<hbm>> -> memref<2048xf32, #tpu.memory_space<hbm>>
      %dma_wait3A_432 = arith.constant 0 : i32
      %dma_wait3A_433 = tpu.memref_slice %arg5[%run_scoped3A_0, %dma_wait3A_432] : memref<2x2048xf32, #tpu.memory_space<vmem>> -> memref<1x2048xf32, #tpu.memory_space<vmem>>
      %dma_wait3A_434 = tpu.memref_squeeze %dma_wait3A_433 : memref<1x2048xf32, #tpu.memory_space<vmem>> -> memref<2048xf32, #tpu.memory_space<vmem>>
      %dma_wait3A_435 = arith.constant 0 : i32
      %dma_wait3A_436 = tpu.memref_slice %arg2[%run_scoped3A, %dma_wait3A_435] : memref<16384x2048xf32, #tpu.memory_space<hbm>> -> memref<1x2048xf32, #tpu.memory_space<hbm>>
      %dma_wait3A_437 = tpu.memref_squeeze %dma_wait3A_436 : memref<1x2048xf32, #tpu.memory_space<hbm>> -> memref<2048xf32, #tpu.memory_space<hbm>>
      tpu.wait_dma2 semaphore(%run_scoped3A_415 : memref<!tpu.dma_semaphore, #tpu.memory_space<semaphore_mem>>) src(%dma_wait3A_437 : memref<2048xf32, #tpu.memory_space<hbm>>) dst(%dma_wait3A_434 : memref<2048xf32, #tpu.memory_space<vmem>>)
      tpu.yield
    }) : () -> ()
    %run_scoped3A_1 = arith.constant 16383 : i32
    %run_scoped3A_2 = arith.constant 1 : i32
    "tpu.region"() ({
      %run_scoped3A_415 = tpu.sem_alloc : memref<!tpu.dma_semaphore, #tpu.memory_space<semaphore_mem>>
      %dma_start3A = arith.constant 0 : i32
      %dma_start3A_416 = tpu.memref_slice %arg5[%run_scoped3A_2, %dma_start3A] : memref<2x2048xf32, #tpu.memory_space<vmem>> -> memref<1x2048xf32, #tpu.memory_space<vmem>>
      %dma_start3A_417 = tpu.memref_squeeze %dma_start3A_416 : memref<1x2048xf32, #tpu.memory_space<vmem>> -> memref<2048xf32, #tpu.memory_space<vmem>>
      %dma_start3A_418 = arith.constant 0 : i32
      %dma_start3A_419 = tpu.memref_slice %arg2[%run_scoped3A_1, %dma_start3A_418] : memref<16384x2048xf32, #tpu.memory_space<hbm>> -> memref<1x2048xf32, #tpu.memory_space<hbm>>
      %dma_start3A_420 = tpu.memref_squeeze %dma_start3A_419 : memref<1x2048xf32, #tpu.memory_space<hbm>> -> memref<2048xf32, #tpu.memory_space<hbm>>
      %dma_start3A_421 = arith.constant 0 : i32
      %dma_start3A_422 = tpu.memref_slice %arg5[%run_scoped3A_2, %dma_start3A_421] : memref<2x2048xf32, #tpu.memory_space<vmem>> -> memref<1x2048xf32, #tpu.memory_space<vmem>>
      %dma_start3A_423 = tpu.memref_squeeze %dma_start3A_422 : memref<1x2048xf32, #tpu.memory_space<vmem>> -> memref<2048xf32, #tpu.memory_space<vmem>>
      %dma_start3A_424 = arith.constant 0 : i32
      %dma_start3A_425 = tpu.memref_slice %arg2[%run_scoped3A_1, %dma_start3A_424] : memref<16384x2048xf32, #tpu.memory_space<hbm>> -> memref<1x2048xf32, #tpu.memory_space<hbm>>
      %dma_start3A_426 = tpu.memref_squeeze %dma_start3A_425 : memref<1x2048xf32, #tpu.memory_space<hbm>> -> memref<2048xf32, #tpu.memory_space<hbm>>
      tpu.enqueue_dma source(%dma_start3A_426 : memref<2048xf32, #tpu.memory_space<hbm>>) target(%dma_start3A_423 : memref<2048xf32, #tpu.memory_space<vmem>>) target_semaphore(%run_scoped3A_415 : memref<!tpu.dma_semaphore, #tpu.memory_space<semaphore_mem>>)
      %dma_wait3A = arith.constant 0 : i32
      %dma_wait3A_427 = tpu.memref_slice %arg5[%run_scoped3A_2, %dma_wait3A] : memref<2x2048xf32, #tpu.memory_space<vmem>> -> memref<1x2048xf32, #tpu.memory_space<vmem>>
      %dma_wait3A_428 = tpu.memref_squeeze %dma_wait3A_427 : memref<1x2048xf32, #tpu.memory_space<vmem>> -> memref<2048xf32, #tpu.memory_space<vmem>>
      %dma_wait3A_429 = arith.constant 0 : i32
      %dma_wait3A_430 = tpu.memref_slice %arg2[%run_scoped3A_1, %dma_wait3A_429] : memref<16384x2048xf32, #tpu.memory_space<hbm>> -> memref<1x2048xf32, #tpu.memory_space<hbm>>
      %dma_wait3A_431 = tpu.memref_squeeze %dma_wait3A_430 : memref<1x2048xf32, #tpu.memory_space<hbm>> -> memref<2048xf32, #tpu.memory_space<hbm>>
      %dma_wait3A_432 = arith.constant 0 : i32
      %dma_wait3A_433 = tpu.memref_slice %arg5[%run_scoped3A_2, %dma_wait3A_432] : memref<2x2048xf32, #tpu.memory_space<vmem>> -> memref<1x2048xf32, #tpu.memory_space<vmem>>
      %dma_wait3A_434 = tpu.memref_squeeze %dma_wait3A_433 : memref<1x2048xf32, #tpu.memory_space<vmem>> -> memref<2048xf32, #tpu.memory_space<vmem>>
      %dma_wait3A_435 = arith.constant 0 : i32
      %dma_wait3A_436 = tpu.memref_slice %arg2[%run_scoped3A_1, %dma_wait3A_435] : memref<16384x2048xf32, #tpu.memory_space<hbm>> -> memref<1x2048xf32, #tpu.memory_space<hbm>>
      %dma_wait3A_437 = tpu.memref_squeeze %dma_wait3A_436 : memref<1x2048xf32, #tpu.memory_space<hbm>> -> memref<2048xf32, #tpu.memory_space<hbm>>
      tpu.wait_dma2 semaphore(%run_scoped3A_415 : memref<!tpu.dma_semaphore, #tpu.memory_space<semaphore_mem>>) src(%dma_wait3A_437 : memref<2048xf32, #tpu.memory_space<hbm>>) dst(%dma_wait3A_434 : memref<2048xf32, #tpu.memory_space<vmem>>)
      tpu.yield
    }) : () -> ()
    %mul3A = arith.constant 64 : i32
    %mul3A_3 = arith.muli %arg1, %mul3A : i32
    %add3A = arith.constant 0 : i32
    %add3A_4 = arith.addi %mul3A_3, %add3A : i32
    "tpu.region"() ({
      %run_scoped3A_415 = tpu.sem_alloc : memref<!tpu.dma_semaphore, #tpu.memory_space<semaphore_mem>>
      %dma_start3A = arith.constant 0 : i32
      %dma_start3A_416 = tpu.memref_slice %arg3[%add3A_4, %dma_start3A] : memref<1024x2048xf32, #tpu.memory_space<hbm>> -> memref<32x2048xf32, #tpu.memory_space<hbm>>
      %dma_start3A_417 = arith.constant 0 : i32
      %dma_start3A_418 = tpu.memref_slice %arg3[%add3A_4, %dma_start3A_417] : memref<1024x2048xf32, #tpu.memory_space<hbm>> -> memref<32x2048xf32, #tpu.memory_space<hbm>>
      tpu.enqueue_dma source(%dma_start3A_418 : memref<32x2048xf32, #tpu.memory_space<hbm>>) target(%arg6 : memref<32x2048xf32, #tpu.memory_space<vmem>>) target_semaphore(%run_scoped3A_415 : memref<!tpu.dma_semaphore, #tpu.memory_space<semaphore_mem>>)
      %dma_wait3A = arith.constant 0 : i32
      %dma_wait3A_419 = tpu.memref_slice %arg3[%add3A_4, %dma_wait3A] : memref<1024x2048xf32, #tpu.memory_space<hbm>> -> memref<32x2048xf32, #tpu.memory_space<hbm>>
      %dma_wait3A_420 = arith.constant 0 : i32
      %dma_wait3A_421 = tpu.memref_slice %arg3[%add3A_4, %dma_wait3A_420] : memref<1024x2048xf32, #tpu.memory_space<hbm>> -> memref<32x2048xf32, #tpu.memory_space<hbm>>
      tpu.wait_dma2 semaphore(%run_scoped3A_415 : memref<!tpu.dma_semaphore, #tpu.memory_space<semaphore_mem>>) src(%dma_wait3A_421 : memref<32x2048xf32, #tpu.memory_space<hbm>>) dst(%arg6 : memref<32x2048xf32, #tpu.memory_space<vmem>>)
      tpu.yield
    }) : () -> ()
    %scan3A = arith.constant -3.000000e+38 : f32
    %scan3A_5 = arith.constant 0 : i32
    %scan3A_6 = arith.constant -3.000000e+38 : f32
    %scan3A_7 = arith.constant 0 : i32
    %scan3A_8 = arith.constant 0 : i32
    %scan3A_9 = arith.constant 32 : i32
    %scan3A_10 = arith.addi %scan3A_8, %scan3A_9 : i32
    %scan3A_11 = arith.constant 1 : i32
    %scan3A_12:4 = scf.for %scan3A_415 = %scan3A_8 to %scan3A_10 step %scan3A_11 iter_args(%scan3A_416 = %scan3A, %scan3A_417 = %scan3A_5, %scan3A_418 = %scan3A_6, %scan3A_419 = %scan3A_7) -> (f32, i32, f32, i32)  : i32 {
      %broadcast_in_dim3A_420 = arith.constant 0.000000e+00 : f32
      %broadcast_in_dim3A_421 = vector.broadcast %broadcast_in_dim3A_420 : f32 to vector<16xf32>
      %scan3A_422 = arith.constant 0 : i32
      %scan3A_423 = arith.constant 32 : i32
      %scan3A_424 = arith.addi %scan3A_422, %scan3A_423 : i32
      %scan3A_425 = arith.constant 1 : i32
      %scan3A_426:4 = scf.for %scan3A_446 = %scan3A_422 to %scan3A_424 step %scan3A_425 iter_args(%scan3A_447 = %broadcast_in_dim3A_421, %scan3A_448 = %broadcast_in_dim3A_421, %scan3A_449 = %broadcast_in_dim3A_421, %scan3A_450 = %broadcast_in_dim3A_421) -> (vector<16xf32>, vector<16xf32>, vector<16xf32>, vector<16xf32>)  : i32 {
        %mul3A_451 = arith.constant 4 : i32
        %mul3A_452 = arith.muli %scan3A_446, %mul3A_451 : i32
        %add3A_453 = arith.constant 0 : i32
        %add3A_454 = arith.addi %mul3A_452, %add3A_453 : i32
        %mul3A_455 = arith.constant 16 : i32
        %mul3A_456 = arith.muli %add3A_454, %mul3A_455 : i32
        %get3A_457 = arith.index_cast %scan3A_415 : i32 to index
        %get3A_458 = arith.index_cast %mul3A_456 : i32 to index
        %get3A_459 = tpu.vector_load %arg6[%get3A_457, %get3A_458] {strides = array<i32>} : memref<32x2048xf32, #tpu.memory_space<vmem>>, vector<16xf32>,
        %get3A_460 = arith.constant 0 : i32
        %get3A_461 = arith.index_cast %get3A_460 : i32 to index
        %get3A_462 = arith.index_cast %mul3A_456 : i32 to index
        %get3A_463 = tpu.vector_load %arg5[%get3A_461, %get3A_462] {strides = array<i32>} : memref<2x2048xf32, #tpu.memory_space<vmem>>, vector<16xf32>,
        %mul3A_464 = arith.mulf %get3A_459, %get3A_463 : vector<16xf32>
        %add3A_465 = arith.addf %scan3A_447, %mul3A_464 : vector<16xf32>
        %get3A_466 = arith.constant 1 : i32
        %get3A_467 = arith.index_cast %get3A_466 : i32 to index
        %get3A_468 = arith.index_cast %mul3A_456 : i32 to index
        %get3A_469 = tpu.vector_load %arg5[%get3A_467, %get3A_468] {strides = array<i32>} : memref<2x2048xf32, #tpu.memory_space<vmem>>, vector<16xf32>,
        %mul3A_470 = arith.mulf %get3A_459, %get3A_469 : vector<16xf32>
        %add3A_471 = arith.addf %scan3A_449, %mul3A_470 : vector<16xf32>
        %mul3A_472 = arith.constant 4 : i32
        %mul3A_473 = arith.muli %scan3A_446, %mul3A_472 : i32
        %add3A_474 = arith.constant 1 : i32
        %add3A_475 = arith.addi %mul3A_473, %add3A_474 : i32
        %mul3A_476 = arith.constant 16 : i32
        %mul3A_477 = arith.muli %add3A_475, %mul3A_476 : i32
        %get3A_478 = arith.index_cast %scan3A_415 : i32 to index
        %get3A_479 = arith.index_cast %mul3A_477 : i32 to index
        %get3A_480 = tpu.vector_load %arg6[%get3A_478, %get3A_479] {strides = array<i32>} : memref<32x2048xf32, #tpu.memory_space<vmem>>, vector<16xf32>,
        %get3A_481 = arith.constant 0 : i32
        %get3A_482 = arith.index_cast %get3A_481 : i32 to index
        %get3A_483 = arith.index_cast %mul3A_477 : i32 to index
        %get3A_484 = tpu.vector_load %arg5[%get3A_482, %get3A_483] {strides = array<i32>} : memref<2x2048xf32, #tpu.memory_space<vmem>>, vector<16xf32>,
        %mul3A_485 = arith.mulf %get3A_480, %get3A_484 : vector<16xf32>
        %add3A_486 = arith.addf %scan3A_448, %mul3A_485 : vector<16xf32>
        %get3A_487 = arith.constant 1 : i32
        %get3A_488 = arith.index_cast %get3A_487 : i32 to index
        %get3A_489 = arith.index_cast %mul3A_477 : i32 to index
        %get3A_490 = tpu.vector_load %arg5[%get3A_488, %get3A_489] {strides = array<i32>} : memref<2x2048xf32, #tpu.memory_space<vmem>>, vector<16xf32>,
        %mul3A_491 = arith.mulf %get3A_480, %get3A_490 : vector<16xf32>
        %add3A_492 = arith.addf %scan3A_450, %mul3A_491 : vector<16xf32>
        %mul3A_493 = arith.constant 4 : i32
        %mul3A_494 = arith.muli %scan3A_446, %mul3A_493 : i32
        %add3A_495 = arith.constant 2 : i32
        %add3A_496 = arith.addi %mul3A_494, %add3A_495 : i32
        %mul3A_497 = arith.constant 16 : i32
        %mul3A_498 = arith.muli %add3A_496, %mul3A_497 : i32
        %get3A_499 = arith.index_cast %scan3A_415 : i32 to index
        %get3A_500 = arith.index_cast %mul3A_498 : i32 to index
        %get3A_501 = tpu.vector_load %arg6[%get3A_499, %get3A_500] {strides = array<i32>} : memref<32x2048xf32, #tpu.memory_space<vmem>>, vector<16xf32>,
        %get3A_502 = arith.constant 0 : i32
        %get3A_503 = arith.index_cast %get3A_502 : i32 to index
        %get3A_504 = arith.index_cast %mul3A_498 : i32 to index
        %get3A_505 = tpu.vector_load %arg5[%get3A_503, %get3A_504] {strides = array<i32>} : memref<2x2048xf32, #tpu.memory_space<vmem>>, vector<16xf32>,
        %mul3A_506 = arith.mulf %get3A_501, %get3A_505 : vector<16xf32>
        %add3A_507 = arith.addf %add3A_465, %mul3A_506 : vector<16xf32>
        %get3A_508 = arith.constant 1 : i32
        %get3A_509 = arith.index_cast %get3A_508 : i32 to index
        %get3A_510 = arith.index_cast %mul3A_498 : i32 to index
        %get3A_511 = tpu.vector_load %arg5[%get3A_509, %get3A_510] {strides = array<i32>} : memref<2x2048xf32, #tpu.memory_space<vmem>>, vector<16xf32>,
        %mul3A_512 = arith.mulf %get3A_501, %get3A_511 : vector<16xf32>
        %add3A_513 = arith.addf %add3A_471, %mul3A_512 : vector<16xf32>
        %mul3A_514 = arith.constant 4 : i32
        %mul3A_515 = arith.muli %scan3A_446, %mul3A_514 : i32
        %add3A_516 = arith.constant 3 : i32
        %add3A_517 = arith.addi %mul3A_515, %add3A_516 : i32
        %mul3A_518 = arith.constant 16 : i32
        %mul3A_519 = arith.muli %add3A_517, %mul3A_518 : i32
        %get3A_520 = arith.index_cast %scan3A_415 : i32 to index
        %get3A_521 = arith.index_cast %mul3A_519 : i32 to index
        %get3A_522 = tpu.vector_load %arg6[%get3A_520, %get3A_521] {strides = array<i32>} : memref<32x2048xf32, #tpu.memory_space<vmem>>, vector<16xf32>,
        %get3A_523 = arith.constant 0 : i32
        %get3A_524 = arith.index_cast %get3A_523 : i32 to index
        %get3A_525 = arith.index_cast %mul3A_519 : i32 to index
        %get3A_526 = tpu.vector_load %arg5[%get3A_524, %get3A_525] {strides = array<i32>} : memref<2x2048xf32, #tpu.memory_space<vmem>>, vector<16xf32>,
        %mul3A_527 = arith.mulf %get3A_522, %get3A_526 : vector<16xf32>
        %add3A_528 = arith.addf %add3A_486, %mul3A_527 : vector<16xf32>
        %get3A_529 = arith.constant 1 : i32
        %get3A_530 = arith.index_cast %get3A_529 : i32 to index
        %get3A_531 = arith.index_cast %mul3A_519 : i32 to index
        %get3A_532 = tpu.vector_load %arg5[%get3A_530, %get3A_531] {strides = array<i32>} : memref<2x2048xf32, #tpu.memory_space<vmem>>, vector<16xf32>,
        %mul3A_533 = arith.mulf %get3A_522, %get3A_532 : vector<16xf32>
        %add3A_534 = arith.addf %add3A_492, %mul3A_533 : vector<16xf32>
        scf.yield %add3A_507, %add3A_528, %add3A_513, %add3A_534 : vector<16xf32>, vector<16xf32>, vector<16xf32>, vector<16xf32>
      }
      %scan3A_427 = arith.constant 32 : i32
      %add3A_428 = arith.addf %scan3A_426#0, %scan3A_426#1 : vector<16xf32>
      %broadcast_in_dim3A_429 = arith.constant true
      %broadcast_in_dim3A_430 = vector.broadcast %broadcast_in_dim3A_429 : i1 to vector<16xi1>
      %masked_cumsum3A = tpu.scan <sum>, %add3A_428 masked %broadcast_in_dim3A_430 : vector<16xf32>, vector<16xi1> -> vector<16xf32>
      %slice3A_431 = vector.extract_strided_slice %masked_cumsum3A {offsets = [15], sizes = [1], strides = [1]} : vector<16xf32> to vector<1xf32>
      %squeeze3A_432 = vector.extract %slice3A_431[0] : f32 from vector<1xf32>
      %add3A_433 = arith.addf %scan3A_426#2, %scan3A_426#3 : vector<16xf32>
      %broadcast_in_dim3A_434 = arith.constant true
      %broadcast_in_dim3A_435 = vector.broadcast %broadcast_in_dim3A_434 : i1 to vector<16xi1>
      %masked_cumsum3A_436 = tpu.scan <sum>, %add3A_433 masked %broadcast_in_dim3A_435 : vector<16xf32>, vector<16xi1> -> vector<16xf32>
      %slice3A_437 = vector.extract_strided_slice %masked_cumsum3A_436 {offsets = [15], sizes = [1], strides = [1]} : vector<16xf32> to vector<1xf32>
      %squeeze3A_438 = vector.extract %slice3A_437[0] : f32 from vector<1xf32>
      %add3A_439 = arith.addi %add3A_4, %scan3A_415 : i32
      %gt3A_440 = arith.cmpf ogt, %squeeze3A_432, %scan3A_416 : f32
      %gt3A_441 = arith.cmpf ogt, %squeeze3A_438, %scan3A_418 : f32
      %select_n3A_442 = arith.select %gt3A_440, %squeeze3A_432, %scan3A_416 : f32
      %select_n3A_443 = arith.select %gt3A_440, %add3A_439, %scan3A_417 : i32
      %select_n3A_444 = arith.select %gt3A_441, %squeeze3A_438, %scan3A_418 : f32
      %select_n3A_445 = arith.select %gt3A_441, %add3A_439, %scan3A_419 : i32
      scf.yield %select_n3A_442, %select_n3A_443, %select_n3A_444, %select_n3A_445 : f32, i32, f32, i32
    }
    %scan3A_13 = arith.constant 32 : i32
    %mul3A_14 = arith.constant 64 : i32
    %mul3A_15 = arith.muli %arg1, %mul3A_14 : i32
    %add3A_16 = arith.constant 32 : i32
    %add3A_17 = arith.addi %mul3A_15, %add3A_16 : i32
    "tpu.region"() ({
      %run_scoped3A_415 = tpu.sem_alloc : memref<!tpu.dma_semaphore, #tpu.memory_space<semaphore_mem>>
      %dma_start3A = arith.constant 0 : i32
      %dma_start3A_416 = tpu.memref_slice %arg3[%add3A_17, %dma_start3A] : memref<1024x2048xf32, #tpu.memory_space<hbm>> -> memref<32x2048xf32, #tpu.memory_space<hbm>>
      %dma_start3A_417 = arith.constant 0 : i32
      %dma_start3A_418 = tpu.memref_slice %arg3[%add3A_17, %dma_start3A_417] : memref<1024x2048xf32, #tpu.memory_space<hbm>> -> memref<32x2048xf32, #tpu.memory_space<hbm>>
      tpu.enqueue_dma source(%dma_start3A_418 : memref<32x2048xf32, #tpu.memory_space<hbm>>) target(%arg6 : memref<32x2048xf32, #tpu.memory_space<vmem>>) target_semaphore(%run_scoped3A_415 : memref<!tpu.dma_semaphore, #tpu.memory_space<semaphore_mem>>)
      %dma_wait3A = arith.constant 0 : i32
      %dma_wait3A_419 = tpu.memref_slice %arg3[%add3A_17, %dma_wait3A] : memref<1024x2048xf32, #tpu.memory_space<hbm>> -> memref<32x2048xf32, #tpu.memory_space<hbm>>
      %dma_wait3A_420 = arith.constant 0 : i32
      %dma_wait3A_421 = tpu.memref_slice %arg3[%add3A_17, %dma_wait3A_420] : memref<1024x2048xf32, #tpu.memory_space<hbm>> -> memref<32x2048xf32, #tpu.memory_space<hbm>>
      tpu.wait_dma2 semaphore(%run_scoped3A_415 : memref<!tpu.dma_semaphore, #tpu.memory_space<semaphore_mem>>) src(%dma_wait3A_421 : memref<32x2048xf32, #tpu.memory_space<hbm>>) dst(%arg6 : memref<32x2048xf32, #tpu.memory_space<vmem>>)
      tpu.yield
    }) : () -> ()
    %scan3A_18 = arith.constant 0 : i32
    %scan3A_19 = arith.constant 32 : i32
    %scan3A_20 = arith.addi %scan3A_18, %scan3A_19 : i32
    %scan3A_21 = arith.constant 1 : i32
    %scan3A_22:4 = scf.for %scan3A_415 = %scan3A_18 to %scan3A_20 step %scan3A_21 iter_args(%scan3A_416 = %scan3A_12#0, %scan3A_417 = %scan3A_12#1, %scan3A_418 = %scan3A_12#2, %scan3A_419 = %scan3A_12#3) -> (f32, i32, f32, i32)  : i32 {
      %broadcast_in_dim3A_420 = arith.constant 0.000000e+00 : f32
      %broadcast_in_dim3A_421 = vector.broadcast %broadcast_in_dim3A_420 : f32 to vector<16xf32>
      %scan3A_422 = arith.constant 0 : i32
      %scan3A_423 = arith.constant 32 : i32
      %scan3A_424 = arith.addi %scan3A_422, %scan3A_423 : i32
      %scan3A_425 = arith.constant 1 : i32
      %scan3A_426:4 = scf.for %scan3A_446 = %scan3A_422 to %scan3A_424 step %scan3A_425 iter_args(%scan3A_447 = %broadcast_in_dim3A_421, %scan3A_448 = %broadcast_in_dim3A_421, %scan3A_449 = %broadcast_in_dim3A_421, %scan3A_450 = %broadcast_in_dim3A_421) -> (vector<16xf32>, vector<16xf32>, vector<16xf32>, vector<16xf32>)  : i32 {
        %mul3A_451 = arith.constant 4 : i32
        %mul3A_452 = arith.muli %scan3A_446, %mul3A_451 : i32
        %add3A_453 = arith.constant 0 : i32
        %add3A_454 = arith.addi %mul3A_452, %add3A_453 : i32
        %mul3A_455 = arith.constant 16 : i32
        %mul3A_456 = arith.muli %add3A_454, %mul3A_455 : i32
        %get3A_457 = arith.index_cast %scan3A_415 : i32 to index
        %get3A_458 = arith.index_cast %mul3A_456 : i32 to index
        %get3A_459 = tpu.vector_load %arg6[%get3A_457, %get3A_458] {strides = array<i32>} : memref<32x2048xf32, #tpu.memory_space<vmem>>, vector<16xf32>,
        %get3A_460 = arith.constant 0 : i32
        %get3A_461 = arith.index_cast %get3A_460 : i32 to index
        %get3A_462 = arith.index_cast %mul3A_456 : i32 to index
        %get3A_463 = tpu.vector_load %arg5[%get3A_461, %get3A_462] {strides = array<i32>} : memref<2x2048xf32, #tpu.memory_space<vmem>>, vector<16xf32>,
        %mul3A_464 = arith.mulf %get3A_459, %get3A_463 : vector<16xf32>
        %add3A_465 = arith.addf %scan3A_447, %mul3A_464 : vector<16xf32>
        %get3A_466 = arith.constant 1 : i32
        %get3A_467 = arith.index_cast %get3A_466 : i32 to index
        %get3A_468 = arith.index_cast %mul3A_456 : i32 to index
        %get3A_469 = tpu.vector_load %arg5[%get3A_467, %get3A_468] {strides = array<i32>} : memref<2x2048xf32, #tpu.memory_space<vmem>>, vector<16xf32>,
        %mul3A_470 = arith.mulf %get3A_459, %get3A_469 : vector<16xf32>
        %add3A_471 = arith.addf %scan3A_449, %mul3A_470 : vector<16xf32>
        %mul3A_472 = arith.constant 4 : i32
        %mul3A_473 = arith.muli %scan3A_446, %mul3A_472 : i32
        %add3A_474 = arith.constant 1 : i32
        %add3A_475 = arith.addi %mul3A_473, %add3A_474 : i32
        %mul3A_476 = arith.constant 16 : i32
        %mul3A_477 = arith.muli %add3A_475, %mul3A_476 : i32
        %get3A_478 = arith.index_cast %scan3A_415 : i32 to index
        %get3A_479 = arith.index_cast %mul3A_477 : i32 to index
        %get3A_480 = tpu.vector_load %arg6[%get3A_478, %get3A_479] {strides = array<i32>} : memref<32x2048xf32, #tpu.memory_space<vmem>>, vector<16xf32>,
        %get3A_481 = arith.constant 0 : i32
        %get3A_482 = arith.index_cast %get3A_481 : i32 to index
        %get3A_483 = arith.index_cast %mul3A_477 : i32 to index
        %get3A_484 = tpu.vector_load %arg5[%get3A_482, %get3A_483] {strides = array<i32>} : memref<2x2048xf32, #tpu.memory_space<vmem>>, vector<16xf32>,
        %mul3A_485 = arith.mulf %get3A_480, %get3A_484 : vector<16xf32>
        %add3A_486 = arith.addf %scan3A_448, %mul3A_485 : vector<16xf32>
        %get3A_487 = arith.constant 1 : i32
        %get3A_488 = arith.index_cast %get3A_487 : i32 to index
        %get3A_489 = arith.index_cast %mul3A_477 : i32 to index
        %get3A_490 = tpu.vector_load %arg5[%get3A_488, %get3A_489] {strides = array<i32>} : memref<2x2048xf32, #tpu.memory_space<vmem>>, vector<16xf32>,
        %mul3A_491 = arith.mulf %get3A_480, %get3A_490 : vector<16xf32>
        %add3A_492 = arith.addf %scan3A_450, %mul3A_491 : vector<16xf32>
        %mul3A_493 = arith.constant 4 : i32
        %mul3A_494 = arith.muli %scan3A_446, %mul3A_493 : i32
        %add3A_495 = arith.constant 2 : i32
        %add3A_496 = arith.addi %mul3A_494, %add3A_495 : i32
        %mul3A_497 = arith.constant 16 : i32
        %mul3A_498 = arith.muli %add3A_496, %mul3A_497 : i32
        %get3A_499 = arith.index_cast %scan3A_415 : i32 to index
        %get3A_500 = arith.index_cast %mul3A_498 : i32 to index
        %get3A_501 = tpu.vector_load %arg6[%get3A_499, %get3A_500] {strides = array<i32>} : memref<32x2048xf32, #tpu.memory_space<vmem>>, vector<16xf32>,
        %get3A_502 = arith.constant 0 : i32
        %get3A_503 = arith.index_cast %get3A_502 : i32 to index
        %get3A_504 = arith.index_cast %mul3A_498 : i32 to index
        %get3A_505 = tpu.vector_load %arg5[%get3A_503, %get3A_504] {strides = array<i32>} : memref<2x2048xf32, #tpu.memory_space<vmem>>, vector<16xf32>,
        %mul3A_506 = arith.mulf %get3A_501, %get3A_505 : vector<16xf32>
        %add3A_507 = arith.addf %add3A_465, %mul3A_506 : vector<16xf32>
        %get3A_508 = arith.constant 1 : i32
        %get3A_509 = arith.index_cast %get3A_508 : i32 to index
        %get3A_510 = arith.index_cast %mul3A_498 : i32 to index
        %get3A_511 = tpu.vector_load %arg5[%get3A_509, %get3A_510] {strides = array<i32>} : memref<2x2048xf32, #tpu.memory_space<vmem>>, vector<16xf32>,
        %mul3A_512 = arith.mulf %get3A_501, %get3A_511 : vector<16xf32>
        %add3A_513 = arith.addf %add3A_471, %mul3A_512 : vector<16xf32>
        %mul3A_514 = arith.constant 4 : i32
        %mul3A_515 = arith.muli %scan3A_446, %mul3A_514 : i32
        %add3A_516 = arith.constant 3 : i32
        %add3A_517 = arith.addi %mul3A_515, %add3A_516 : i32
        %mul3A_518 = arith.constant 16 : i32
        %mul3A_519 = arith.muli %add3A_517, %mul3A_518 : i32
        %get3A_520 = arith.index_cast %scan3A_415 : i32 to index
        %get3A_521 = arith.index_cast %mul3A_519 : i32 to index
        %get3A_522 = tpu.vector_load %arg6[%get3A_520, %get3A_521] {strides = array<i32>} : memref<32x2048xf32, #tpu.memory_space<vmem>>, vector<16xf32>,
        %get3A_523 = arith.constant 0 : i32
        %get3A_524 = arith.index_cast %get3A_523 : i32 to index
        %get3A_525 = arith.index_cast %mul3A_519 : i32 to index
        %get3A_526 = tpu.vector_load %arg5[%get3A_524, %get3A_525] {strides = array<i32>} : memref<2x2048xf32, #tpu.memory_space<vmem>>, vector<16xf32>,
        %mul3A_527 = arith.mulf %get3A_522, %get3A_526 : vector<16xf32>
        %add3A_528 = arith.addf %add3A_486, %mul3A_527 : vector<16xf32>
        %get3A_529 = arith.constant 1 : i32
        %get3A_530 = arith.index_cast %get3A_529 : i32 to index
        %get3A_531 = arith.index_cast %mul3A_519 : i32 to index
        %get3A_532 = tpu.vector_load %arg5[%get3A_530, %get3A_531] {strides = array<i32>} : memref<2x2048xf32, #tpu.memory_space<vmem>>, vector<16xf32>,
        %mul3A_533 = arith.mulf %get3A_522, %get3A_532 : vector<16xf32>
        %add3A_534 = arith.addf %add3A_492, %mul3A_533 : vector<16xf32>
        scf.yield %add3A_507, %add3A_528, %add3A_513, %add3A_534 : vector<16xf32>, vector<16xf32>, vector<16xf32>, vector<16xf32>
      }
      %scan3A_427 = arith.constant 32 : i32
      %add3A_428 = arith.addf %scan3A_426#0, %scan3A_426#1 : vector<16xf32>
      %broadcast_in_dim3A_429 = arith.constant true
      %broadcast_in_dim3A_430 = vector.broadcast %broadcast_in_dim3A_429 : i1 to vector<16xi1>
      %masked_cumsum3A = tpu.scan <sum>, %add3A_428 masked %broadcast_in_dim3A_430 : vector<16xf32>, vector<16xi1> -> vector<16xf32>
      %slice3A_431 = vector.extract_strided_slice %masked_cumsum3A {offsets = [15], sizes = [1], strides = [1]} : vector<16xf32> to vector<1xf32>
      %squeeze3A_432 = vector.extract %slice3A_431[0] : f32 from vector<1xf32>
      %add3A_433 = arith.addf %scan3A_426#2, %scan3A_426#3 : vector<16xf32>
      %broadcast_in_dim3A_434 = arith.constant true
      %broadcast_in_dim3A_435 = vector.broadcast %broadcast_in_dim3A_434 : i1 to vector<16xi1>
      %masked_cumsum3A_436 = tpu.scan <sum>, %add3A_433 masked %broadcast_in_dim3A_435 : vector<16xf32>, vector<16xi1> -> vector<16xf32>
      %slice3A_437 = vector.extract_strided_slice %masked_cumsum3A_436 {offsets = [15], sizes = [1], strides = [1]} : vector<16xf32> to vector<1xf32>
      %squeeze3A_438 = vector.extract %slice3A_437[0] : f32 from vector<1xf32>
      %add3A_439 = arith.addi %add3A_17, %scan3A_415 : i32
      %gt3A_440 = arith.cmpf ogt, %squeeze3A_432, %scan3A_416 : f32
      %gt3A_441 = arith.cmpf ogt, %squeeze3A_438, %scan3A_418 : f32
      %select_n3A_442 = arith.select %gt3A_440, %squeeze3A_432, %scan3A_416 : f32
      %select_n3A_443 = arith.select %gt3A_440, %add3A_439, %scan3A_417 : i32
      %select_n3A_444 = arith.select %gt3A_441, %squeeze3A_438, %scan3A_418 : f32
      %select_n3A_445 = arith.select %gt3A_441, %add3A_439, %scan3A_419 : i32
      scf.yield %select_n3A_442, %select_n3A_443, %select_n3A_444, %select_n3A_445 : f32, i32, f32, i32
    }
    %scan3A_23 = arith.constant 32 : i32
    %iota3A = tpu.iota {dimensions = array<i32: 0>} : vector<16xi32>
    %eq3A = arith.constant 0 : i32
    %eq3A_24 = vector.broadcast %eq3A : i32 to vector<16xi32>
    %eq3A_25 = arith.cmpi eq, %iota3A, %eq3A_24 : vector<16xi32>
    %eq3A_26 = arith.constant 1 : i32
    %eq3A_27 = vector.broadcast %eq3A_26 : i32 to vector<16xi32>
    %eq3A_28 = arith.cmpi eq, %iota3A, %eq3A_27 : vector<16xi32>
    %eq3A_29 = arith.constant 2 : i32
    %eq3A_30 = vector.broadcast %eq3A_29 : i32 to vector<16xi32>
    %eq3A_31 = arith.cmpi eq, %iota3A, %eq3A_30 : vector<16xi32>
    %convert_element_type3A = arith.sitofp %scan3A_22#1 : i32 to f32
    %eq3A_32 = arith.constant 3 : i32
    %eq3A_33 = vector.broadcast %eq3A_32 : i32 to vector<16xi32>
    %eq3A_34 = arith.cmpi eq, %iota3A, %eq3A_33 : vector<16xi32>
    %convert_element_type3A_35 = arith.sitofp %scan3A_22#3 : i32 to f32
    %jit3A = arith.constant 0.000000e+00 : f32
    %broadcast_in_dim3A = vector.broadcast %convert_element_type3A_35 : f32 to vector<16xf32>
    %broadcast_in_dim3A_36 = vector.broadcast %jit3A : f32 to vector<16xf32>
    %select_n3A = arith.select %eq3A_34, %broadcast_in_dim3A, %broadcast_in_dim3A_36 : vector<16xi1>, vector<16xf32>
    %broadcast_in_dim3A_37 = vector.broadcast %convert_element_type3A : f32 to vector<16xf32>
    %select_n3A_38 = arith.select %eq3A_31, %broadcast_in_dim3A_37, %select_n3A : vector<16xi1>, vector<16xf32>
    %broadcast_in_dim3A_39 = vector.broadcast %scan3A_22#2 : f32 to vector<16xf32>
    %select_n3A_40 = arith.select %eq3A_28, %broadcast_in_dim3A_39, %select_n3A_38 : vector<16xi1>, vector<16xf32>
    %broadcast_in_dim3A_41 = vector.broadcast %scan3A_22#0 : f32 to vector<16xf32>
    %select_n3A_42 = arith.select %eq3A_25, %broadcast_in_dim3A_41, %select_n3A_40 : vector<16xi1>, vector<16xf32>
    %swap3A = arith.constant 0 : index
    %swap3A_43 = tpu.vector_load %arg8[%swap3A] {strides = array<i32>} : memref<16xf32, #tpu.memory_space<vmem>>, vector<16xf32>,
    tpu.vector_store %arg8[%swap3A], %select_n3A_42 {strides = array<i32>} : memref<16xf32, #tpu.memory_space<vmem>>, vector<16xf32>,
    "tpu.region"() ({
      %run_scoped3A_415 = tpu.sem_alloc : memref<!tpu.dma_semaphore, #tpu.memory_space<semaphore_mem>>
      %dma_start3A = arith.constant 0 : i32
      %dma_start3A_416 = tpu.memref_slice %arg9[%arg1, %dma_start3A] : memref<16x16xf32, #tpu.memory_space<vmem_shared>> -> memref<1x16xf32, #tpu.memory_space<vmem_shared>>
      %dma_start3A_417 = tpu.memref_squeeze %dma_start3A_416 : memref<1x16xf32, #tpu.memory_space<vmem_shared>> -> memref<16xf32, #tpu.memory_space<vmem_shared>>
      %dma_start3A_418 = arith.constant 0 : i32
      %dma_start3A_419 = tpu.memref_slice %arg9[%arg1, %dma_start3A_418] : memref<16x16xf32, #tpu.memory_space<vmem_shared>> -> memref<1x16xf32, #tpu.memory_space<vmem_shared>>
      %dma_start3A_420 = tpu.memref_squeeze %dma_start3A_419 : memref<1x16xf32, #tpu.memory_space<vmem_shared>> -> memref<16xf32, #tpu.memory_space<vmem_shared>>
      tpu.enqueue_dma source(%arg8 : memref<16xf32, #tpu.memory_space<vmem>>) target(%dma_start3A_420 : memref<16xf32, #tpu.memory_space<vmem_shared>>) target_semaphore(%run_scoped3A_415 : memref<!tpu.dma_semaphore, #tpu.memory_space<semaphore_mem>>)
      %dma_wait3A = arith.constant 0 : i32
      %dma_wait3A_421 = tpu.memref_slice %arg9[%arg1, %dma_wait3A] : memref<16x16xf32, #tpu.memory_space<vmem_shared>> -> memref<1x16xf32, #tpu.memory_space<vmem_shared>>
      %dma_wait3A_422 = tpu.memref_squeeze %dma_wait3A_421 : memref<1x16xf32, #tpu.memory_space<vmem_shared>> -> memref<16xf32, #tpu.memory_space<vmem_shared>>
      %dma_wait3A_423 = arith.constant 0 : i32
      %dma_wait3A_424 = tpu.memref_slice %arg9[%arg1, %dma_wait3A_423] : memref<16x16xf32, #tpu.memory_space<vmem_shared>> -> memref<1x16xf32, #tpu.memory_space<vmem_shared>>
      %dma_wait3A_425 = tpu.memref_squeeze %dma_wait3A_424 : memref<1x16xf32, #tpu.memory_space<vmem_shared>> -> memref<16xf32, #tpu.memory_space<vmem_shared>>
      tpu.wait_dma2 semaphore(%run_scoped3A_415 : memref<!tpu.dma_semaphore, #tpu.memory_space<semaphore_mem>>) src(%arg8 : memref<16xf32, #tpu.memory_space<vmem>>) dst(%dma_wait3A_425 : memref<16xf32, #tpu.memory_space<vmem_shared>>)
      tpu.yield
    }) : () -> ()
    %barrier3A = arith.constant 0 : index
    tpu.barrier barrier_id(%barrier3A)
    "tpu.region"() ({
      %run_scoped3A_415 = tpu.sem_alloc : memref<!tpu.dma_semaphore, #tpu.memory_space<semaphore_mem>>
      tpu.enqueue_dma source(%arg9 : memref<16x16xf32, #tpu.memory_space<vmem_shared>>) target(%arg11 : memref<16x16xf32, #tpu.memory_space<vmem>>) target_semaphore(%run_scoped3A_415 : memref<!tpu.dma_semaphore, #tpu.memory_space<semaphore_mem>>)
      tpu.wait_dma2 semaphore(%run_scoped3A_415 : memref<!tpu.dma_semaphore, #tpu.memory_space<semaphore_mem>>) src(%arg9 : memref<16x16xf32, #tpu.memory_space<vmem_shared>>) dst(%arg11 : memref<16x16xf32, #tpu.memory_space<vmem>>)
      tpu.yield
    }) : () -> ()
    %get3A = arith.constant 0 : i32
    %get3A_44 = arith.index_cast %get3A : i32 to index
    %get3A_45 = arith.constant 0 : index
    %get3A_46 = tpu.vector_load %arg11[%get3A_44, %get3A_45] {strides = array<i32>} : memref<16x16xf32, #tpu.memory_space<vmem>>, vector<16xf32>,
    %slice3A = vector.extract_strided_slice %get3A_46 {offsets = [0], sizes = [1], strides = [1]} : vector<16xf32> to vector<1xf32>
    %squeeze3A = vector.extract %slice3A[0] : f32 from vector<1xf32>
    %slice3A_47 = vector.extract_strided_slice %get3A_46 {offsets = [1], sizes = [1], strides = [1]} : vector<16xf32> to vector<1xf32>
    %squeeze3A_48 = vector.extract %slice3A_47[0] : f32 from vector<1xf32>
    %slice3A_49 = vector.extract_strided_slice %get3A_46 {offsets = [2], sizes = [1], strides = [1]} : vector<16xf32> to vector<1xf32>
    %squeeze3A_50 = vector.extract %slice3A_49[0] : f32 from vector<1xf32>
    %convert_element_type3A_51 = arith.fptosi %squeeze3A_50 : f32 to i32
    %slice3A_52 = vector.extract_strided_slice %get3A_46 {offsets = [3], sizes = [1], strides = [1]} : vector<16xf32> to vector<1xf32>
    %squeeze3A_53 = vector.extract %slice3A_52[0] : f32 from vector<1xf32>
    %convert_element_type3A_54 = arith.fptosi %squeeze3A_53 : f32 to i32
    %gt3A = arith.constant -3.000000e+38 : f32
    %gt3A_55 = arith.cmpf ogt, %squeeze3A, %gt3A : f32
    %gt3A_56 = arith.constant -3.000000e+38 : f32
    %gt3A_57 = arith.cmpf ogt, %squeeze3A_48, %gt3A_56 : f32
    %jit3A_58 = arith.constant -3.000000e+38 : f32
    %select_n3A_59 = arith.select %gt3A_55, %squeeze3A, %jit3A_58 : f32
    %jit3A_60 = arith.constant 0 : i32
    %select_n3A_61 = arith.select %gt3A_55, %convert_element_type3A_51, %jit3A_60 : i32
    %jit3A_62 = arith.constant -3.000000e+38 : f32
    %select_n3A_63 = arith.select %gt3A_57, %squeeze3A_48, %jit3A_62 : f32
    %jit3A_64 = arith.constant 0 : i32
    %select_n3A_65 = arith.select %gt3A_57, %convert_element_type3A_54, %jit3A_64 : i32
    %get3A_66 = arith.constant 1 : i32
    %get3A_67 = arith.index_cast %get3A_66 : i32 to index
    %get3A_68 = arith.constant 0 : index
    %get3A_69 = tpu.vector_load %arg11[%get3A_67, %get3A_68] {strides = array<i32>} : memref<16x16xf32, #tpu.memory_space<vmem>>, vector<16xf32>,
    %slice3A_70 = vector.extract_strided_slice %get3A_69 {offsets = [0], sizes = [1], strides = [1]} : vector<16xf32> to vector<1xf32>
    %squeeze3A_71 = vector.extract %slice3A_70[0] : f32 from vector<1xf32>
    %slice3A_72 = vector.extract_strided_slice %get3A_69 {offsets = [1], sizes = [1], strides = [1]} : vector<16xf32> to vector<1xf32>
    %squeeze3A_73 = vector.extract %slice3A_72[0] : f32 from vector<1xf32>
    %slice3A_74 = vector.extract_strided_slice %get3A_69 {offsets = [2], sizes = [1], strides = [1]} : vector<16xf32> to vector<1xf32>
    %squeeze3A_75 = vector.extract %slice3A_74[0] : f32 from vector<1xf32>
    %convert_element_type3A_76 = arith.fptosi %squeeze3A_75 : f32 to i32
    %slice3A_77 = vector.extract_strided_slice %get3A_69 {offsets = [3], sizes = [1], strides = [1]} : vector<16xf32> to vector<1xf32>
    %squeeze3A_78 = vector.extract %slice3A_77[0] : f32 from vector<1xf32>
    %convert_element_type3A_79 = arith.fptosi %squeeze3A_78 : f32 to i32
    %gt3A_80 = arith.cmpf ogt, %squeeze3A_71, %select_n3A_59 : f32
    %gt3A_81 = arith.cmpf ogt, %squeeze3A_73, %select_n3A_63 : f32
    %select_n3A_82 = arith.select %gt3A_80, %squeeze3A_71, %select_n3A_59 : f32
    %select_n3A_83 = arith.select %gt3A_80, %convert_element_type3A_76, %select_n3A_61 : i32
    %select_n3A_84 = arith.select %gt3A_81, %squeeze3A_73, %select_n3A_63 : f32
    %select_n3A_85 = arith.select %gt3A_81, %convert_element_type3A_79, %select_n3A_65 : i32
    %get3A_86 = arith.constant 2 : i32
    %get3A_87 = arith.index_cast %get3A_86 : i32 to index
    %get3A_88 = arith.constant 0 : index
    %get3A_89 = tpu.vector_load %arg11[%get3A_87, %get3A_88] {strides = array<i32>} : memref<16x16xf32, #tpu.memory_space<vmem>>, vector<16xf32>,
    %slice3A_90 = vector.extract_strided_slice %get3A_89 {offsets = [0], sizes = [1], strides = [1]} : vector<16xf32> to vector<1xf32>
    %squeeze3A_91 = vector.extract %slice3A_90[0] : f32 from vector<1xf32>
    %slice3A_92 = vector.extract_strided_slice %get3A_89 {offsets = [1], sizes = [1], strides = [1]} : vector<16xf32> to vector<1xf32>
    %squeeze3A_93 = vector.extract %slice3A_92[0] : f32 from vector<1xf32>
    %slice3A_94 = vector.extract_strided_slice %get3A_89 {offsets = [2], sizes = [1], strides = [1]} : vector<16xf32> to vector<1xf32>
    %squeeze3A_95 = vector.extract %slice3A_94[0] : f32 from vector<1xf32>
    %convert_element_type3A_96 = arith.fptosi %squeeze3A_95 : f32 to i32
    %slice3A_97 = vector.extract_strided_slice %get3A_89 {offsets = [3], sizes = [1], strides = [1]} : vector<16xf32> to vector<1xf32>
    %squeeze3A_98 = vector.extract %slice3A_97[0] : f32 from vector<1xf32>
    %convert_element_type3A_99 = arith.fptosi %squeeze3A_98 : f32 to i32
    %gt3A_100 = arith.cmpf ogt, %squeeze3A_91, %select_n3A_82 : f32
    %gt3A_101 = arith.cmpf ogt, %squeeze3A_93, %select_n3A_84 : f32
    %select_n3A_102 = arith.select %gt3A_100, %squeeze3A_91, %select_n3A_82 : f32
    %select_n3A_103 = arith.select %gt3A_100, %convert_element_type3A_96, %select_n3A_83 : i32
    %select_n3A_104 = arith.select %gt3A_101, %squeeze3A_93, %select_n3A_84 : f32
    %select_n3A_105 = arith.select %gt3A_101, %convert_element_type3A_99, %select_n3A_85 : i32
    %get3A_106 = arith.constant 3 : i32
    %get3A_107 = arith.index_cast %get3A_106 : i32 to index
    %get3A_108 = arith.constant 0 : index
    %get3A_109 = tpu.vector_load %arg11[%get3A_107, %get3A_108] {strides = array<i32>} : memref<16x16xf32, #tpu.memory_space<vmem>>, vector<16xf32>,
    %slice3A_110 = vector.extract_strided_slice %get3A_109 {offsets = [0], sizes = [1], strides = [1]} : vector<16xf32> to vector<1xf32>
    %squeeze3A_111 = vector.extract %slice3A_110[0] : f32 from vector<1xf32>
    %slice3A_112 = vector.extract_strided_slice %get3A_109 {offsets = [1], sizes = [1], strides = [1]} : vector<16xf32> to vector<1xf32>
    %squeeze3A_113 = vector.extract %slice3A_112[0] : f32 from vector<1xf32>
    %slice3A_114 = vector.extract_strided_slice %get3A_109 {offsets = [2], sizes = [1], strides = [1]} : vector<16xf32> to vector<1xf32>
    %squeeze3A_115 = vector.extract %slice3A_114[0] : f32 from vector<1xf32>
    %convert_element_type3A_116 = arith.fptosi %squeeze3A_115 : f32 to i32
    %slice3A_117 = vector.extract_strided_slice %get3A_109 {offsets = [3], sizes = [1], strides = [1]} : vector<16xf32> to vector<1xf32>
    %squeeze3A_118 = vector.extract %slice3A_117[0] : f32 from vector<1xf32>
    %convert_element_type3A_119 = arith.fptosi %squeeze3A_118 : f32 to i32
    %gt3A_120 = arith.cmpf ogt, %squeeze3A_111, %select_n3A_102 : f32
    %gt3A_121 = arith.cmpf ogt, %squeeze3A_113, %select_n3A_104 : f32
    %select_n3A_122 = arith.select %gt3A_120, %squeeze3A_111, %select_n3A_102 : f32
    %select_n3A_123 = arith.select %gt3A_120, %convert_element_type3A_116, %select_n3A_103 : i32
    %select_n3A_124 = arith.select %gt3A_121, %squeeze3A_113, %select_n3A_104 : f32
    %select_n3A_125 = arith.select %gt3A_121, %convert_element_type3A_119, %select_n3A_105 : i32
    %get3A_126 = arith.constant 4 : i32
    %get3A_127 = arith.index_cast %get3A_126 : i32 to index
    %get3A_128 = arith.constant 0 : index
    %get3A_129 = tpu.vector_load %arg11[%get3A_127, %get3A_128] {strides = array<i32>} : memref<16x16xf32, #tpu.memory_space<vmem>>, vector<16xf32>,
    %slice3A_130 = vector.extract_strided_slice %get3A_129 {offsets = [0], sizes = [1], strides = [1]} : vector<16xf32> to vector<1xf32>
    %squeeze3A_131 = vector.extract %slice3A_130[0] : f32 from vector<1xf32>
    %slice3A_132 = vector.extract_strided_slice %get3A_129 {offsets = [1], sizes = [1], strides = [1]} : vector<16xf32> to vector<1xf32>
    %squeeze3A_133 = vector.extract %slice3A_132[0] : f32 from vector<1xf32>
    %slice3A_134 = vector.extract_strided_slice %get3A_129 {offsets = [2], sizes = [1], strides = [1]} : vector<16xf32> to vector<1xf32>
    %squeeze3A_135 = vector.extract %slice3A_134[0] : f32 from vector<1xf32>
    %convert_element_type3A_136 = arith.fptosi %squeeze3A_135 : f32 to i32
    %slice3A_137 = vector.extract_strided_slice %get3A_129 {offsets = [3], sizes = [1], strides = [1]} : vector<16xf32> to vector<1xf32>
    %squeeze3A_138 = vector.extract %slice3A_137[0] : f32 from vector<1xf32>
    %convert_element_type3A_139 = arith.fptosi %squeeze3A_138 : f32 to i32
    %gt3A_140 = arith.cmpf ogt, %squeeze3A_131, %select_n3A_122 : f32
    %gt3A_141 = arith.cmpf ogt, %squeeze3A_133, %select_n3A_124 : f32
    %select_n3A_142 = arith.select %gt3A_140, %squeeze3A_131, %select_n3A_122 : f32
    %select_n3A_143 = arith.select %gt3A_140, %convert_element_type3A_136, %select_n3A_123 : i32
    %select_n3A_144 = arith.select %gt3A_141, %squeeze3A_133, %select_n3A_124 : f32
    %select_n3A_145 = arith.select %gt3A_141, %convert_element_type3A_139, %select_n3A_125 : i32
    %get3A_146 = arith.constant 5 : i32
    %get3A_147 = arith.index_cast %get3A_146 : i32 to index
    %get3A_148 = arith.constant 0 : index
    %get3A_149 = tpu.vector_load %arg11[%get3A_147, %get3A_148] {strides = array<i32>} : memref<16x16xf32, #tpu.memory_space<vmem>>, vector<16xf32>,
    %slice3A_150 = vector.extract_strided_slice %get3A_149 {offsets = [0], sizes = [1], strides = [1]} : vector<16xf32> to vector<1xf32>
    %squeeze3A_151 = vector.extract %slice3A_150[0] : f32 from vector<1xf32>
    %slice3A_152 = vector.extract_strided_slice %get3A_149 {offsets = [1], sizes = [1], strides = [1]} : vector<16xf32> to vector<1xf32>
    %squeeze3A_153 = vector.extract %slice3A_152[0] : f32 from vector<1xf32>
    %slice3A_154 = vector.extract_strided_slice %get3A_149 {offsets = [2], sizes = [1], strides = [1]} : vector<16xf32> to vector<1xf32>
    %squeeze3A_155 = vector.extract %slice3A_154[0] : f32 from vector<1xf32>
    %convert_element_type3A_156 = arith.fptosi %squeeze3A_155 : f32 to i32
    %slice3A_157 = vector.extract_strided_slice %get3A_149 {offsets = [3], sizes = [1], strides = [1]} : vector<16xf32> to vector<1xf32>
    %squeeze3A_158 = vector.extract %slice3A_157[0] : f32 from vector<1xf32>
    %convert_element_type3A_159 = arith.fptosi %squeeze3A_158 : f32 to i32
    %gt3A_160 = arith.cmpf ogt, %squeeze3A_151, %select_n3A_142 : f32
    %gt3A_161 = arith.cmpf ogt, %squeeze3A_153, %select_n3A_144 : f32
    %select_n3A_162 = arith.select %gt3A_160, %squeeze3A_151, %select_n3A_142 : f32
    %select_n3A_163 = arith.select %gt3A_160, %convert_element_type3A_156, %select_n3A_143 : i32
    %select_n3A_164 = arith.select %gt3A_161, %squeeze3A_153, %select_n3A_144 : f32
    %select_n3A_165 = arith.select %gt3A_161, %convert_element_type3A_159, %select_n3A_145 : i32
    %get3A_166 = arith.constant 6 : i32
    %get3A_167 = arith.index_cast %get3A_166 : i32 to index
    %get3A_168 = arith.constant 0 : index
    %get3A_169 = tpu.vector_load %arg11[%get3A_167, %get3A_168] {strides = array<i32>} : memref<16x16xf32, #tpu.memory_space<vmem>>, vector<16xf32>,
    %slice3A_170 = vector.extract_strided_slice %get3A_169 {offsets = [0], sizes = [1], strides = [1]} : vector<16xf32> to vector<1xf32>
    %squeeze3A_171 = vector.extract %slice3A_170[0] : f32 from vector<1xf32>
    %slice3A_172 = vector.extract_strided_slice %get3A_169 {offsets = [1], sizes = [1], strides = [1]} : vector<16xf32> to vector<1xf32>
    %squeeze3A_173 = vector.extract %slice3A_172[0] : f32 from vector<1xf32>
    %slice3A_174 = vector.extract_strided_slice %get3A_169 {offsets = [2], sizes = [1], strides = [1]} : vector<16xf32> to vector<1xf32>
    %squeeze3A_175 = vector.extract %slice3A_174[0] : f32 from vector<1xf32>
    %convert_element_type3A_176 = arith.fptosi %squeeze3A_175 : f32 to i32
    %slice3A_177 = vector.extract_strided_slice %get3A_169 {offsets = [3], sizes = [1], strides = [1]} : vector<16xf32> to vector<1xf32>
    %squeeze3A_178 = vector.extract %slice3A_177[0] : f32 from vector<1xf32>
    %convert_element_type3A_179 = arith.fptosi %squeeze3A_178 : f32 to i32
    %gt3A_180 = arith.cmpf ogt, %squeeze3A_171, %select_n3A_162 : f32
    %gt3A_181 = arith.cmpf ogt, %squeeze3A_173, %select_n3A_164 : f32
    %select_n3A_182 = arith.select %gt3A_180, %squeeze3A_171, %select_n3A_162 : f32
    %select_n3A_183 = arith.select %gt3A_180, %convert_element_type3A_176, %select_n3A_163 : i32
    %select_n3A_184 = arith.select %gt3A_181, %squeeze3A_173, %select_n3A_164 : f32
    %select_n3A_185 = arith.select %gt3A_181, %convert_element_type3A_179, %select_n3A_165 : i32
    %get3A_186 = arith.constant 7 : i32
    %get3A_187 = arith.index_cast %get3A_186 : i32 to index
    %get3A_188 = arith.constant 0 : index
    %get3A_189 = tpu.vector_load %arg11[%get3A_187, %get3A_188] {strides = array<i32>} : memref<16x16xf32, #tpu.memory_space<vmem>>, vector<16xf32>,
    %slice3A_190 = vector.extract_strided_slice %get3A_189 {offsets = [0], sizes = [1], strides = [1]} : vector<16xf32> to vector<1xf32>
    %squeeze3A_191 = vector.extract %slice3A_190[0] : f32 from vector<1xf32>
    %slice3A_192 = vector.extract_strided_slice %get3A_189 {offsets = [1], sizes = [1], strides = [1]} : vector<16xf32> to vector<1xf32>
    %squeeze3A_193 = vector.extract %slice3A_192[0] : f32 from vector<1xf32>
    %slice3A_194 = vector.extract_strided_slice %get3A_189 {offsets = [2], sizes = [1], strides = [1]} : vector<16xf32> to vector<1xf32>
    %squeeze3A_195 = vector.extract %slice3A_194[0] : f32 from vector<1xf32>
    %convert_element_type3A_196 = arith.fptosi %squeeze3A_195 : f32 to i32
    %slice3A_197 = vector.extract_strided_slice %get3A_189 {offsets = [3], sizes = [1], strides = [1]} : vector<16xf32> to vector<1xf32>
    %squeeze3A_198 = vector.extract %slice3A_197[0] : f32 from vector<1xf32>
    %convert_element_type3A_199 = arith.fptosi %squeeze3A_198 : f32 to i32
    %gt3A_200 = arith.cmpf ogt, %squeeze3A_191, %select_n3A_182 : f32
    %gt3A_201 = arith.cmpf ogt, %squeeze3A_193, %select_n3A_184 : f32
    %select_n3A_202 = arith.select %gt3A_200, %squeeze3A_191, %select_n3A_182 : f32
    %select_n3A_203 = arith.select %gt3A_200, %convert_element_type3A_196, %select_n3A_183 : i32
    %select_n3A_204 = arith.select %gt3A_201, %squeeze3A_193, %select_n3A_184 : f32
    %select_n3A_205 = arith.select %gt3A_201, %convert_element_type3A_199, %select_n3A_185 : i32
    %get3A_206 = arith.constant 8 : i32
    %get3A_207 = arith.index_cast %get3A_206 : i32 to index
    %get3A_208 = arith.constant 0 : index
    %get3A_209 = tpu.vector_load %arg11[%get3A_207, %get3A_208] {strides = array<i32>} : memref<16x16xf32, #tpu.memory_space<vmem>>, vector<16xf32>,
    %slice3A_210 = vector.extract_strided_slice %get3A_209 {offsets = [0], sizes = [1], strides = [1]} : vector<16xf32> to vector<1xf32>
    %squeeze3A_211 = vector.extract %slice3A_210[0] : f32 from vector<1xf32>
    %slice3A_212 = vector.extract_strided_slice %get3A_209 {offsets = [1], sizes = [1], strides = [1]} : vector<16xf32> to vector<1xf32>
    %squeeze3A_213 = vector.extract %slice3A_212[0] : f32 from vector<1xf32>
    %slice3A_214 = vector.extract_strided_slice %get3A_209 {offsets = [2], sizes = [1], strides = [1]} : vector<16xf32> to vector<1xf32>
    %squeeze3A_215 = vector.extract %slice3A_214[0] : f32 from vector<1xf32>
    %convert_element_type3A_216 = arith.fptosi %squeeze3A_215 : f32 to i32
    %slice3A_217 = vector.extract_strided_slice %get3A_209 {offsets = [3], sizes = [1], strides = [1]} : vector<16xf32> to vector<1xf32>
    %squeeze3A_218 = vector.extract %slice3A_217[0] : f32 from vector<1xf32>
    %convert_element_type3A_219 = arith.fptosi %squeeze3A_218 : f32 to i32
    %gt3A_220 = arith.cmpf ogt, %squeeze3A_211, %select_n3A_202 : f32
    %gt3A_221 = arith.cmpf ogt, %squeeze3A_213, %select_n3A_204 : f32
    %select_n3A_222 = arith.select %gt3A_220, %squeeze3A_211, %select_n3A_202 : f32
    %select_n3A_223 = arith.select %gt3A_220, %convert_element_type3A_216, %select_n3A_203 : i32
    %select_n3A_224 = arith.select %gt3A_221, %squeeze3A_213, %select_n3A_204 : f32
    %select_n3A_225 = arith.select %gt3A_221, %convert_element_type3A_219, %select_n3A_205 : i32
    %get3A_226 = arith.constant 9 : i32
    %get3A_227 = arith.index_cast %get3A_226 : i32 to index
    %get3A_228 = arith.constant 0 : index
    %get3A_229 = tpu.vector_load %arg11[%get3A_227, %get3A_228] {strides = array<i32>} : memref<16x16xf32, #tpu.memory_space<vmem>>, vector<16xf32>,
    %slice3A_230 = vector.extract_strided_slice %get3A_229 {offsets = [0], sizes = [1], strides = [1]} : vector<16xf32> to vector<1xf32>
    %squeeze3A_231 = vector.extract %slice3A_230[0] : f32 from vector<1xf32>
    %slice3A_232 = vector.extract_strided_slice %get3A_229 {offsets = [1], sizes = [1], strides = [1]} : vector<16xf32> to vector<1xf32>
    %squeeze3A_233 = vector.extract %slice3A_232[0] : f32 from vector<1xf32>
    %slice3A_234 = vector.extract_strided_slice %get3A_229 {offsets = [2], sizes = [1], strides = [1]} : vector<16xf32> to vector<1xf32>
    %squeeze3A_235 = vector.extract %slice3A_234[0] : f32 from vector<1xf32>
    %convert_element_type3A_236 = arith.fptosi %squeeze3A_235 : f32 to i32
    %slice3A_237 = vector.extract_strided_slice %get3A_229 {offsets = [3], sizes = [1], strides = [1]} : vector<16xf32> to vector<1xf32>
    %squeeze3A_238 = vector.extract %slice3A_237[0] : f32 from vector<1xf32>
    %convert_element_type3A_239 = arith.fptosi %squeeze3A_238 : f32 to i32
    %gt3A_240 = arith.cmpf ogt, %squeeze3A_231, %select_n3A_222 : f32
    %gt3A_241 = arith.cmpf ogt, %squeeze3A_233, %select_n3A_224 : f32
    %select_n3A_242 = arith.select %gt3A_240, %squeeze3A_231, %select_n3A_222 : f32
    %select_n3A_243 = arith.select %gt3A_240, %convert_element_type3A_236, %select_n3A_223 : i32
    %select_n3A_244 = arith.select %gt3A_241, %squeeze3A_233, %select_n3A_224 : f32
    %select_n3A_245 = arith.select %gt3A_241, %convert_element_type3A_239, %select_n3A_225 : i32
    %get3A_246 = arith.constant 10 : i32
    %get3A_247 = arith.index_cast %get3A_246 : i32 to index
    %get3A_248 = arith.constant 0 : index
    %get3A_249 = tpu.vector_load %arg11[%get3A_247, %get3A_248] {strides = array<i32>} : memref<16x16xf32, #tpu.memory_space<vmem>>, vector<16xf32>,
    %slice3A_250 = vector.extract_strided_slice %get3A_249 {offsets = [0], sizes = [1], strides = [1]} : vector<16xf32> to vector<1xf32>
    %squeeze3A_251 = vector.extract %slice3A_250[0] : f32 from vector<1xf32>
    %slice3A_252 = vector.extract_strided_slice %get3A_249 {offsets = [1], sizes = [1], strides = [1]} : vector<16xf32> to vector<1xf32>
    %squeeze3A_253 = vector.extract %slice3A_252[0] : f32 from vector<1xf32>
    %slice3A_254 = vector.extract_strided_slice %get3A_249 {offsets = [2], sizes = [1], strides = [1]} : vector<16xf32> to vector<1xf32>
    %squeeze3A_255 = vector.extract %slice3A_254[0] : f32 from vector<1xf32>
    %convert_element_type3A_256 = arith.fptosi %squeeze3A_255 : f32 to i32
    %slice3A_257 = vector.extract_strided_slice %get3A_249 {offsets = [3], sizes = [1], strides = [1]} : vector<16xf32> to vector<1xf32>
    %squeeze3A_258 = vector.extract %slice3A_257[0] : f32 from vector<1xf32>
    %convert_element_type3A_259 = arith.fptosi %squeeze3A_258 : f32 to i32
    %gt3A_260 = arith.cmpf ogt, %squeeze3A_251, %select_n3A_242 : f32
    %gt3A_261 = arith.cmpf ogt, %squeeze3A_253, %select_n3A_244 : f32
    %select_n3A_262 = arith.select %gt3A_260, %squeeze3A_251, %select_n3A_242 : f32
    %select_n3A_263 = arith.select %gt3A_260, %convert_element_type3A_256, %select_n3A_243 : i32
    %select_n3A_264 = arith.select %gt3A_261, %squeeze3A_253, %select_n3A_244 : f32
    %select_n3A_265 = arith.select %gt3A_261, %convert_element_type3A_259, %select_n3A_245 : i32
    %get3A_266 = arith.constant 11 : i32
    %get3A_267 = arith.index_cast %get3A_266 : i32 to index
    %get3A_268 = arith.constant 0 : index
    %get3A_269 = tpu.vector_load %arg11[%get3A_267, %get3A_268] {strides = array<i32>} : memref<16x16xf32, #tpu.memory_space<vmem>>, vector<16xf32>,
    %slice3A_270 = vector.extract_strided_slice %get3A_269 {offsets = [0], sizes = [1], strides = [1]} : vector<16xf32> to vector<1xf32>
    %squeeze3A_271 = vector.extract %slice3A_270[0] : f32 from vector<1xf32>
    %slice3A_272 = vector.extract_strided_slice %get3A_269 {offsets = [1], sizes = [1], strides = [1]} : vector<16xf32> to vector<1xf32>
    %squeeze3A_273 = vector.extract %slice3A_272[0] : f32 from vector<1xf32>
    %slice3A_274 = vector.extract_strided_slice %get3A_269 {offsets = [2], sizes = [1], strides = [1]} : vector<16xf32> to vector<1xf32>
    %squeeze3A_275 = vector.extract %slice3A_274[0] : f32 from vector<1xf32>
    %convert_element_type3A_276 = arith.fptosi %squeeze3A_275 : f32 to i32
    %slice3A_277 = vector.extract_strided_slice %get3A_269 {offsets = [3], sizes = [1], strides = [1]} : vector<16xf32> to vector<1xf32>
    %squeeze3A_278 = vector.extract %slice3A_277[0] : f32 from vector<1xf32>
    %convert_element_type3A_279 = arith.fptosi %squeeze3A_278 : f32 to i32
    %gt3A_280 = arith.cmpf ogt, %squeeze3A_271, %select_n3A_262 : f32
    %gt3A_281 = arith.cmpf ogt, %squeeze3A_273, %select_n3A_264 : f32
    %select_n3A_282 = arith.select %gt3A_280, %squeeze3A_271, %select_n3A_262 : f32
    %select_n3A_283 = arith.select %gt3A_280, %convert_element_type3A_276, %select_n3A_263 : i32
    %select_n3A_284 = arith.select %gt3A_281, %squeeze3A_273, %select_n3A_264 : f32
    %select_n3A_285 = arith.select %gt3A_281, %convert_element_type3A_279, %select_n3A_265 : i32
    %get3A_286 = arith.constant 12 : i32
    %get3A_287 = arith.index_cast %get3A_286 : i32 to index
    %get3A_288 = arith.constant 0 : index
    %get3A_289 = tpu.vector_load %arg11[%get3A_287, %get3A_288] {strides = array<i32>} : memref<16x16xf32, #tpu.memory_space<vmem>>, vector<16xf32>,
    %slice3A_290 = vector.extract_strided_slice %get3A_289 {offsets = [0], sizes = [1], strides = [1]} : vector<16xf32> to vector<1xf32>
    %squeeze3A_291 = vector.extract %slice3A_290[0] : f32 from vector<1xf32>
    %slice3A_292 = vector.extract_strided_slice %get3A_289 {offsets = [1], sizes = [1], strides = [1]} : vector<16xf32> to vector<1xf32>
    %squeeze3A_293 = vector.extract %slice3A_292[0] : f32 from vector<1xf32>
    %slice3A_294 = vector.extract_strided_slice %get3A_289 {offsets = [2], sizes = [1], strides = [1]} : vector<16xf32> to vector<1xf32>
    %squeeze3A_295 = vector.extract %slice3A_294[0] : f32 from vector<1xf32>
    %convert_element_type3A_296 = arith.fptosi %squeeze3A_295 : f32 to i32
    %slice3A_297 = vector.extract_strided_slice %get3A_289 {offsets = [3], sizes = [1], strides = [1]} : vector<16xf32> to vector<1xf32>
    %squeeze3A_298 = vector.extract %slice3A_297[0] : f32 from vector<1xf32>
    %convert_element_type3A_299 = arith.fptosi %squeeze3A_298 : f32 to i32
    %gt3A_300 = arith.cmpf ogt, %squeeze3A_291, %select_n3A_282 : f32
    %gt3A_301 = arith.cmpf ogt, %squeeze3A_293, %select_n3A_284 : f32
    %select_n3A_302 = arith.select %gt3A_300, %squeeze3A_291, %select_n3A_282 : f32
    %select_n3A_303 = arith.select %gt3A_300, %convert_element_type3A_296, %select_n3A_283 : i32
    %select_n3A_304 = arith.select %gt3A_301, %squeeze3A_293, %select_n3A_284 : f32
    %select_n3A_305 = arith.select %gt3A_301, %convert_element_type3A_299, %select_n3A_285 : i32
    %get3A_306 = arith.constant 13 : i32
    %get3A_307 = arith.index_cast %get3A_306 : i32 to index
    %get3A_308 = arith.constant 0 : index
    %get3A_309 = tpu.vector_load %arg11[%get3A_307, %get3A_308] {strides = array<i32>} : memref<16x16xf32, #tpu.memory_space<vmem>>, vector<16xf32>,
    %slice3A_310 = vector.extract_strided_slice %get3A_309 {offsets = [0], sizes = [1], strides = [1]} : vector<16xf32> to vector<1xf32>
    %squeeze3A_311 = vector.extract %slice3A_310[0] : f32 from vector<1xf32>
    %slice3A_312 = vector.extract_strided_slice %get3A_309 {offsets = [1], sizes = [1], strides = [1]} : vector<16xf32> to vector<1xf32>
    %squeeze3A_313 = vector.extract %slice3A_312[0] : f32 from vector<1xf32>
    %slice3A_314 = vector.extract_strided_slice %get3A_309 {offsets = [2], sizes = [1], strides = [1]} : vector<16xf32> to vector<1xf32>
    %squeeze3A_315 = vector.extract %slice3A_314[0] : f32 from vector<1xf32>
    %convert_element_type3A_316 = arith.fptosi %squeeze3A_315 : f32 to i32
    %slice3A_317 = vector.extract_strided_slice %get3A_309 {offsets = [3], sizes = [1], strides = [1]} : vector<16xf32> to vector<1xf32>
    %squeeze3A_318 = vector.extract %slice3A_317[0] : f32 from vector<1xf32>
    %convert_element_type3A_319 = arith.fptosi %squeeze3A_318 : f32 to i32
    %gt3A_320 = arith.cmpf ogt, %squeeze3A_311, %select_n3A_302 : f32
    %gt3A_321 = arith.cmpf ogt, %squeeze3A_313, %select_n3A_304 : f32
    %select_n3A_322 = arith.select %gt3A_320, %squeeze3A_311, %select_n3A_302 : f32
    %select_n3A_323 = arith.select %gt3A_320, %convert_element_type3A_316, %select_n3A_303 : i32
    %select_n3A_324 = arith.select %gt3A_321, %squeeze3A_313, %select_n3A_304 : f32
    %select_n3A_325 = arith.select %gt3A_321, %convert_element_type3A_319, %select_n3A_305 : i32
    %get3A_326 = arith.constant 14 : i32
    %get3A_327 = arith.index_cast %get3A_326 : i32 to index
    %get3A_328 = arith.constant 0 : index
    %get3A_329 = tpu.vector_load %arg11[%get3A_327, %get3A_328] {strides = array<i32>} : memref<16x16xf32, #tpu.memory_space<vmem>>, vector<16xf32>,
    %slice3A_330 = vector.extract_strided_slice %get3A_329 {offsets = [0], sizes = [1], strides = [1]} : vector<16xf32> to vector<1xf32>
    %squeeze3A_331 = vector.extract %slice3A_330[0] : f32 from vector<1xf32>
    %slice3A_332 = vector.extract_strided_slice %get3A_329 {offsets = [1], sizes = [1], strides = [1]} : vector<16xf32> to vector<1xf32>
    %squeeze3A_333 = vector.extract %slice3A_332[0] : f32 from vector<1xf32>
    %slice3A_334 = vector.extract_strided_slice %get3A_329 {offsets = [2], sizes = [1], strides = [1]} : vector<16xf32> to vector<1xf32>
    %squeeze3A_335 = vector.extract %slice3A_334[0] : f32 from vector<1xf32>
    %convert_element_type3A_336 = arith.fptosi %squeeze3A_335 : f32 to i32
    %slice3A_337 = vector.extract_strided_slice %get3A_329 {offsets = [3], sizes = [1], strides = [1]} : vector<16xf32> to vector<1xf32>
    %squeeze3A_338 = vector.extract %slice3A_337[0] : f32 from vector<1xf32>
    %convert_element_type3A_339 = arith.fptosi %squeeze3A_338 : f32 to i32
    %gt3A_340 = arith.cmpf ogt, %squeeze3A_331, %select_n3A_322 : f32
    %gt3A_341 = arith.cmpf ogt, %squeeze3A_333, %select_n3A_324 : f32
    %select_n3A_342 = arith.select %gt3A_340, %squeeze3A_331, %select_n3A_322 : f32
    %select_n3A_343 = arith.select %gt3A_340, %convert_element_type3A_336, %select_n3A_323 : i32
    %select_n3A_344 = arith.select %gt3A_341, %squeeze3A_333, %select_n3A_324 : f32
    %select_n3A_345 = arith.select %gt3A_341, %convert_element_type3A_339, %select_n3A_325 : i32
    %get3A_346 = arith.constant 15 : i32
    %get3A_347 = arith.index_cast %get3A_346 : i32 to index
    %get3A_348 = arith.constant 0 : index
    %get3A_349 = tpu.vector_load %arg11[%get3A_347, %get3A_348] {strides = array<i32>} : memref<16x16xf32, #tpu.memory_space<vmem>>, vector<16xf32>,
    %slice3A_350 = vector.extract_strided_slice %get3A_349 {offsets = [0], sizes = [1], strides = [1]} : vector<16xf32> to vector<1xf32>
    %squeeze3A_351 = vector.extract %slice3A_350[0] : f32 from vector<1xf32>
    %slice3A_352 = vector.extract_strided_slice %get3A_349 {offsets = [1], sizes = [1], strides = [1]} : vector<16xf32> to vector<1xf32>
    %squeeze3A_353 = vector.extract %slice3A_352[0] : f32 from vector<1xf32>
    %slice3A_354 = vector.extract_strided_slice %get3A_349 {offsets = [2], sizes = [1], strides = [1]} : vector<16xf32> to vector<1xf32>
    %squeeze3A_355 = vector.extract %slice3A_354[0] : f32 from vector<1xf32>
    %convert_element_type3A_356 = arith.fptosi %squeeze3A_355 : f32 to i32
    %slice3A_357 = vector.extract_strided_slice %get3A_349 {offsets = [3], sizes = [1], strides = [1]} : vector<16xf32> to vector<1xf32>
    %squeeze3A_358 = vector.extract %slice3A_357[0] : f32 from vector<1xf32>
    %convert_element_type3A_359 = arith.fptosi %squeeze3A_358 : f32 to i32
    %gt3A_360 = arith.cmpf ogt, %squeeze3A_351, %select_n3A_342 : f32
    %gt3A_361 = arith.cmpf ogt, %squeeze3A_353, %select_n3A_344 : f32
    %select_n3A_362 = arith.select %gt3A_360, %squeeze3A_351, %select_n3A_342 : f32
    %select_n3A_363 = arith.select %gt3A_360, %convert_element_type3A_356, %select_n3A_343 : i32
    %select_n3A_364 = arith.select %gt3A_361, %squeeze3A_353, %select_n3A_344 : f32
    %select_n3A_365 = arith.select %gt3A_361, %convert_element_type3A_359, %select_n3A_345 : i32
    %jit3A_366 = arith.constant 64 : i32
    %div3A = arith.divsi %select_n3A_363, %jit3A_366 : i32
    %sign3A = arith.constant 0 : i32
    %sign3A_367 = arith.cmpi sgt, %select_n3A_363, %sign3A : i32
    %sign3A_368 = arith.extui %sign3A_367 : i1 to i32
    %sign3A_369 = arith.constant 0 : i32
    %sign3A_370 = arith.cmpi slt, %select_n3A_363, %sign3A_369 : i32
    %sign3A_371 = arith.extui %sign3A_370 : i1 to i32
    %sign3A_372 = arith.subi %sign3A_368, %sign3A_371 : i32
    %sign3A_373 = arith.constant 0 : i32
    %sign3A_374 = arith.cmpi sgt, %jit3A_366, %sign3A_373 : i32
    %sign3A_375 = arith.extui %sign3A_374 : i1 to i32
    %sign3A_376 = arith.constant 0 : i32
    %sign3A_377 = arith.cmpi slt, %jit3A_366, %sign3A_376 : i32
    %sign3A_378 = arith.extui %sign3A_377 : i1 to i32
    %sign3A_379 = arith.subi %sign3A_375, %sign3A_378 : i32
    %ne3A = arith.cmpi ne, %sign3A_372, %sign3A_379 : i32
    %rem3A = arith.remsi %select_n3A_363, %jit3A_366 : i32
    %ne3A_380 = arith.constant 0 : i32
    %ne3A_381 = arith.cmpi ne, %rem3A, %ne3A_380 : i32
    %and3A = arith.andi %ne3A, %ne3A_381 : i1
    %sub3A = arith.constant 1 : i32
    %sub3A_382 = arith.subi %div3A, %sub3A : i32
    %select_n3A_383 = arith.select %and3A, %sub3A_382, %div3A : i32
    %eq3A_384 = arith.cmpi eq, %arg1, %select_n3A_383 : i32
    %convert_element_type3A_385 = arith.extui %eq3A_384 : i1 to i32
    %cond3A = arith.constant 0 : i32
    %cond3A_386 = arith.cmpi ne, %convert_element_type3A_385, %cond3A : i32
    scf.if %cond3A_386 {
      %broadcast_in_dim3A_415 = vector.broadcast %select_n3A_363 : i32 to vector<16xi32>
      %swap3A_416 = arith.constant 0 : index
      %swap3A_417 = tpu.vector_load %arg10[%swap3A_416] {strides = array<i32>} : memref<16xi32, #tpu.memory_space<vmem>>, vector<16xi32>,
      tpu.vector_store %arg10[%swap3A_416], %broadcast_in_dim3A_415 {strides = array<i32>} : memref<16xi32, #tpu.memory_space<vmem>>, vector<16xi32>,
      %dma_start3A = arith.constant 0 : i32
      %dma_start3A_418 = arith.constant 0 : i32
      %dma_start3A_419 = tpu.memref_slice %arg3[%dma_start3A, %dma_start3A_418] : memref<1024x2048xf32, #tpu.memory_space<hbm>> -> memref<1024x2048xf32, #tpu.memory_space<hbm>>
      tpu.enqueue_indirect_dma source(%dma_start3A_419 : memref<1024x2048xf32, #tpu.memory_space<hbm>>) target(%arg7 : memref<16x2048xf32, #tpu.memory_space<vmem>>) offsets(%arg10 : memref<16xi32, #tpu.memory_space<vmem>>) semaphore(%arg12 : memref<!tpu.dma_semaphore, #tpu.memory_space<semaphore_mem>>)
      %dma_wait3A = arith.constant 0 : i32
      %dma_wait3A_420 = arith.constant 0 : i32
      %dma_wait3A_421 = tpu.memref_slice %arg3[%dma_wait3A, %dma_wait3A_420] : memref<1024x2048xf32, #tpu.memory_space<hbm>> -> memref<1024x2048xf32, #tpu.memory_space<hbm>>
      tpu.wait_indirect_dma semaphore(%arg12 : memref<!tpu.dma_semaphore, #tpu.memory_space<semaphore_mem>>) src(%dma_wait3A_421 : memref<1024x2048xf32, #tpu.memory_space<hbm>>) dst(%arg7 : memref<16x2048xf32, #tpu.memory_space<vmem>>)
      %run_scoped3A_422 = arith.constant 0 : i32
      %run_scoped3A_423 = arith.constant 0 : i32
      "tpu.region"() ({
        %run_scoped3A_424 = tpu.sem_alloc : memref<!tpu.dma_semaphore, #tpu.memory_space<semaphore_mem>>
        %dma_start3A_425 = arith.constant 0 : i32
        %dma_start3A_426 = tpu.memref_slice %arg7[%run_scoped3A_422, %dma_start3A_425] : memref<16x2048xf32, #tpu.memory_space<vmem>> -> memref<1x2048xf32, #tpu.memory_space<vmem>>
        %dma_start3A_427 = tpu.memref_squeeze %dma_start3A_426 : memref<1x2048xf32, #tpu.memory_space<vmem>> -> memref<2048xf32, #tpu.memory_space<vmem>>
        %dma_start3A_428 = arith.constant 0 : i32
        %dma_start3A_429 = tpu.memref_slice %arg4[%run_scoped3A_423, %dma_start3A_428] : memref<2x2048xf32, #tpu.memory_space<hbm>> -> memref<1x2048xf32, #tpu.memory_space<hbm>>
        %dma_start3A_430 = tpu.memref_squeeze %dma_start3A_429 : memref<1x2048xf32, #tpu.memory_space<hbm>> -> memref<2048xf32, #tpu.memory_space<hbm>>
        %dma_start3A_431 = arith.constant 0 : i32
        %dma_start3A_432 = tpu.memref_slice %arg4[%run_scoped3A_423, %dma_start3A_431] : memref<2x2048xf32, #tpu.memory_space<hbm>> -> memref<1x2048xf32, #tpu.memory_space<hbm>>
        %dma_start3A_433 = tpu.memref_squeeze %dma_start3A_432 : memref<1x2048xf32, #tpu.memory_space<hbm>> -> memref<2048xf32, #tpu.memory_space<hbm>>
        %dma_start3A_434 = arith.constant 0 : i32
        %dma_start3A_435 = tpu.memref_slice %arg7[%run_scoped3A_422, %dma_start3A_434] : memref<16x2048xf32, #tpu.memory_space<vmem>> -> memref<1x2048xf32, #tpu.memory_space<vmem>>
        %dma_start3A_436 = tpu.memref_squeeze %dma_start3A_435 : memref<1x2048xf32, #tpu.memory_space<vmem>> -> memref<2048xf32, #tpu.memory_space<vmem>>
        tpu.enqueue_dma source(%dma_start3A_436 : memref<2048xf32, #tpu.memory_space<vmem>>) target(%dma_start3A_433 : memref<2048xf32, #tpu.memory_space<hbm>>) target_semaphore(%run_scoped3A_424 : memref<!tpu.dma_semaphore, #tpu.memory_space<semaphore_mem>>)
        %dma_wait3A_437 = arith.constant 0 : i32
        %dma_wait3A_438 = tpu.memref_slice %arg7[%run_scoped3A_422, %dma_wait3A_437] : memref<16x2048xf32, #tpu.memory_space<vmem>> -> memref<1x2048xf32, #tpu.memory_space<vmem>>
        %dma_wait3A_439 = tpu.memref_squeeze %dma_wait3A_438 : memref<1x2048xf32, #tpu.memory_space<vmem>> -> memref<2048xf32, #tpu.memory_space<vmem>>
        %dma_wait3A_440 = arith.constant 0 : i32
        %dma_wait3A_441 = tpu.memref_slice %arg4[%run_scoped3A_423, %dma_wait3A_440] : memref<2x2048xf32, #tpu.memory_space<hbm>> -> memref<1x2048xf32, #tpu.memory_space<hbm>>
        %dma_wait3A_442 = tpu.memref_squeeze %dma_wait3A_441 : memref<1x2048xf32, #tpu.memory_space<hbm>> -> memref<2048xf32, #tpu.memory_space<hbm>>
        %dma_wait3A_443 = arith.constant 0 : i32
        %dma_wait3A_444 = tpu.memref_slice %arg4[%run_scoped3A_423, %dma_wait3A_443] : memref<2x2048xf32, #tpu.memory_space<hbm>> -> memref<1x2048xf32, #tpu.memory_space<hbm>>
        %dma_wait3A_445 = tpu.memref_squeeze %dma_wait3A_444 : memref<1x2048xf32, #tpu.memory_space<hbm>> -> memref<2048xf32, #tpu.memory_space<hbm>>
        %dma_wait3A_446 = arith.constant 0 : i32
        %dma_wait3A_447 = tpu.memref_slice %arg7[%run_scoped3A_422, %dma_wait3A_446] : memref<16x2048xf32, #tpu.memory_space<vmem>> -> memref<1x2048xf32, #tpu.memory_space<vmem>>
        %dma_wait3A_448 = tpu.memref_squeeze %dma_wait3A_447 : memref<1x2048xf32, #tpu.memory_space<vmem>> -> memref<2048xf32, #tpu.memory_space<vmem>>
        tpu.wait_dma2 semaphore(%run_scoped3A_424 : memref<!tpu.dma_semaphore, #tpu.memory_space<semaphore_mem>>) src(%dma_wait3A_448 : memref<2048xf32, #tpu.memory_space<vmem>>) dst(%dma_wait3A_445 : memref<2048xf32, #tpu.memory_space<hbm>>)
        tpu.yield
      }) : () -> ()
    } else {
    }
    %jit3A_387 = arith.constant 64 : i32
    %div3A_388 = arith.divsi %select_n3A_365, %jit3A_387 : i32
    %sign3A_389 = arith.constant 0 : i32
    %sign3A_390 = arith.cmpi sgt, %select_n3A_365, %sign3A_389 : i32
    %sign3A_391 = arith.extui %sign3A_390 : i1 to i32
    %sign3A_392 = arith.constant 0 : i32
    %sign3A_393 = arith.cmpi slt, %select_n3A_365, %sign3A_392 : i32
    %sign3A_394 = arith.extui %sign3A_393 : i1 to i32
    %sign3A_395 = arith.subi %sign3A_391, %sign3A_394 : i32
    %sign3A_396 = arith.constant 0 : i32
    %sign3A_397 = arith.cmpi sgt, %jit3A_387, %sign3A_396 : i32
    %sign3A_398 = arith.extui %sign3A_397 : i1 to i32
    %sign3A_399 = arith.constant 0 : i32
    %sign3A_400 = arith.cmpi slt, %jit3A_387, %sign3A_399 : i32
    %sign3A_401 = arith.extui %sign3A_400 : i1 to i32
    %sign3A_402 = arith.subi %sign3A_398, %sign3A_401 : i32
    %ne3A_403 = arith.cmpi ne, %sign3A_395, %sign3A_402 : i32
    %rem3A_404 = arith.remsi %select_n3A_365, %jit3A_387 : i32
    %ne3A_405 = arith.constant 0 : i32
    %ne3A_406 = arith.cmpi ne, %rem3A_404, %ne3A_405 : i32
    %and3A_407 = arith.andi %ne3A_403, %ne3A_406 : i1
    %sub3A_408 = arith.constant 1 : i32
    %sub3A_409 = arith.subi %div3A_388, %sub3A_408 : i32
    %select_n3A_410 = arith.select %and3A_407, %sub3A_409, %div3A_388 : i32
    %eq3A_411 = arith.cmpi eq, %arg1, %select_n3A_410 : i32
    %convert_element_type3A_412 = arith.extui %eq3A_411 : i1 to i32
    %cond3A_413 = arith.constant 0 : i32
    %cond3A_414 = arith.cmpi ne, %convert_element_type3A_412, %cond3A_413 : i32
    scf.if %cond3A_414 {
      %broadcast_in_dim3A_415 = vector.broadcast %select_n3A_365 : i32 to vector<16xi32>
      %swap3A_416 = arith.constant 0 : index
      %swap3A_417 = tpu.vector_load %arg10[%swap3A_416] {strides = array<i32>} : memref<16xi32, #tpu.memory_space<vmem>>, vector<16xi32>,
      tpu.vector_store %arg10[%swap3A_416], %broadcast_in_dim3A_415 {strides = array<i32>} : memref<16xi32, #tpu.memory_space<vmem>>, vector<16xi32>,
      %dma_start3A = arith.constant 0 : i32
      %dma_start3A_418 = arith.constant 0 : i32
      %dma_start3A_419 = tpu.memref_slice %arg3[%dma_start3A, %dma_start3A_418] : memref<1024x2048xf32, #tpu.memory_space<hbm>> -> memref<1024x2048xf32, #tpu.memory_space<hbm>>
      tpu.enqueue_indirect_dma source(%dma_start3A_419 : memref<1024x2048xf32, #tpu.memory_space<hbm>>) target(%arg7 : memref<16x2048xf32, #tpu.memory_space<vmem>>) offsets(%arg10 : memref<16xi32, #tpu.memory_space<vmem>>) semaphore(%arg12 : memref<!tpu.dma_semaphore, #tpu.memory_space<semaphore_mem>>)
      %dma_wait3A = arith.constant 0 : i32
      %dma_wait3A_420 = arith.constant 0 : i32
      %dma_wait3A_421 = tpu.memref_slice %arg3[%dma_wait3A, %dma_wait3A_420] : memref<1024x2048xf32, #tpu.memory_space<hbm>> -> memref<1024x2048xf32, #tpu.memory_space<hbm>>
      tpu.wait_indirect_dma semaphore(%arg12 : memref<!tpu.dma_semaphore, #tpu.memory_space<semaphore_mem>>) src(%dma_wait3A_421 : memref<1024x2048xf32, #tpu.memory_space<hbm>>) dst(%arg7 : memref<16x2048xf32, #tpu.memory_space<vmem>>)
      %run_scoped3A_422 = arith.constant 0 : i32
      %run_scoped3A_423 = arith.constant 1 : i32
      "tpu.region"() ({
        %run_scoped3A_424 = tpu.sem_alloc : memref<!tpu.dma_semaphore, #tpu.memory_space<semaphore_mem>>
        %dma_start3A_425 = arith.constant 0 : i32
        %dma_start3A_426 = tpu.memref_slice %arg7[%run_scoped3A_422, %dma_start3A_425] : memref<16x2048xf32, #tpu.memory_space<vmem>> -> memref<1x2048xf32, #tpu.memory_space<vmem>>
        %dma_start3A_427 = tpu.memref_squeeze %dma_start3A_426 : memref<1x2048xf32, #tpu.memory_space<vmem>> -> memref<2048xf32, #tpu.memory_space<vmem>>
        %dma_start3A_428 = arith.constant 0 : i32
        %dma_start3A_429 = tpu.memref_slice %arg4[%run_scoped3A_423, %dma_start3A_428] : memref<2x2048xf32, #tpu.memory_space<hbm>> -> memref<1x2048xf32, #tpu.memory_space<hbm>>
        %dma_start3A_430 = tpu.memref_squeeze %dma_start3A_429 : memref<1x2048xf32, #tpu.memory_space<hbm>> -> memref<2048xf32, #tpu.memory_space<hbm>>
        %dma_start3A_431 = arith.constant 0 : i32
        %dma_start3A_432 = tpu.memref_slice %arg4[%run_scoped3A_423, %dma_start3A_431] : memref<2x2048xf32, #tpu.memory_space<hbm>> -> memref<1x2048xf32, #tpu.memory_space<hbm>>
        %dma_start3A_433 = tpu.memref_squeeze %dma_start3A_432 : memref<1x2048xf32, #tpu.memory_space<hbm>> -> memref<2048xf32, #tpu.memory_space<hbm>>
        %dma_start3A_434 = arith.constant 0 : i32
        %dma_start3A_435 = tpu.memref_slice %arg7[%run_scoped3A_422, %dma_start3A_434] : memref<16x2048xf32, #tpu.memory_space<vmem>> -> memref<1x2048xf32, #tpu.memory_space<vmem>>
        %dma_start3A_436 = tpu.memref_squeeze %dma_start3A_435 : memref<1x2048xf32, #tpu.memory_space<vmem>> -> memref<2048xf32, #tpu.memory_space<vmem>>
        tpu.enqueue_dma source(%dma_start3A_436 : memref<2048xf32, #tpu.memory_space<vmem>>) target(%dma_start3A_433 : memref<2048xf32, #tpu.memory_space<hbm>>) target_semaphore(%run_scoped3A_424 : memref<!tpu.dma_semaphore, #tpu.memory_space<semaphore_mem>>)
        %dma_wait3A_437 = arith.constant 0 : i32
        %dma_wait3A_438 = tpu.memref_slice %arg7[%run_scoped3A_422, %dma_wait3A_437] : memref<16x2048xf32, #tpu.memory_space<vmem>> -> memref<1x2048xf32, #tpu.memory_space<vmem>>
        %dma_wait3A_439 = tpu.memref_squeeze %dma_wait3A_438 : memref<1x2048xf32, #tpu.memory_space<vmem>> -> memref<2048xf32, #tpu.memory_space<vmem>>
        %dma_wait3A_440 = arith.constant 0 : i32
        %dma_wait3A_441 = tpu.memref_slice %arg4[%run_scoped3A_423, %dma_wait3A_440] : memref<2x2048xf32, #tpu.memory_space<hbm>> -> memref<1x2048xf32, #tpu.memory_space<hbm>>
        %dma_wait3A_442 = tpu.memref_squeeze %dma_wait3A_441 : memref<1x2048xf32, #tpu.memory_space<hbm>> -> memref<2048xf32, #tpu.memory_space<hbm>>
        %dma_wait3A_443 = arith.constant 0 : i32
        %dma_wait3A_444 = tpu.memref_slice %arg4[%run_scoped3A_423, %dma_wait3A_443] : memref<2x2048xf32, #tpu.memory_space<hbm>> -> memref<1x2048xf32, #tpu.memory_space<hbm>>
        %dma_wait3A_445 = tpu.memref_squeeze %dma_wait3A_444 : memref<1x2048xf32, #tpu.memory_space<hbm>> -> memref<2048xf32, #tpu.memory_space<hbm>>
        %dma_wait3A_446 = arith.constant 0 : i32
        %dma_wait3A_447 = tpu.memref_slice %arg7[%run_scoped3A_422, %dma_wait3A_446] : memref<16x2048xf32, #tpu.memory_space<vmem>> -> memref<1x2048xf32, #tpu.memory_space<vmem>>
        %dma_wait3A_448 = tpu.memref_squeeze %dma_wait3A_447 : memref<1x2048xf32, #tpu.memory_space<vmem>> -> memref<2048xf32, #tpu.memory_space<vmem>>
        tpu.wait_dma2 semaphore(%run_scoped3A_424 : memref<!tpu.dma_semaphore, #tpu.memory_space<semaphore_mem>>) src(%dma_wait3A_448 : memref<2048xf32, #tpu.memory_space<vmem>>) dst(%dma_wait3A_445 : memref<2048xf32, #tpu.memory_space<hbm>>)
        tpu.yield
      }) : () -> ()
    } else {
    }
    return
  }
}

module attributes {stable_mosaic.version = 14 : i64} {
  func.func @_copy_body(%arg0: i32, %arg1: memref<1024x2048xf32, #tpu.memory_space<vmem>>, %arg2: memref<1024x2048xf32, #tpu.memory_space<vmem>>) attributes {dimension_semantics = [#tpu.dimension_semantics<arbitrary>], iteration_bounds = array<i64: 16>, scalar_prefetch = 0 : i64, scratch_operands = 0 : i64, tpu.core_type = #tpu.core_type<tc>, window_params = [{transform_indices = @transform_0, window_bounds = array<i64: 1024, 2048>}, {transform_indices = @transform_1, window_bounds = array<i64: 1024, 2048>}]} {
    %get3A = arith.constant 0 : index
    %get3A_0 = arith.constant 0 : index
    %get3A_1 = vector.load %arg1[%get3A, %get3A_0] : memref<1024x2048xf32, #tpu.memory_space<vmem>>, vector<1024x2048xf32>
    %swap3A = arith.constant 0 : index
    %swap3A_2 = arith.constant 0 : index
    %swap3A_3 = vector.load %arg2[%swap3A, %swap3A_2] : memref<1024x2048xf32, #tpu.memory_space<vmem>>, vector<1024x2048xf32>
    tpu.vector_store %arg2[%swap3A, %swap3A_2], %get3A_1 {strides = array<i32>} : memref<1024x2048xf32, #tpu.memory_space<vmem>>, vector<1024x2048xf32>,
    return
  }
  func.func @transform_0(%arg0: i32) -> (i32, i32) {
    %c0_i32 = arith.constant 0 : i32
    %c0_i32_0 = arith.constant 0 : i32
    return %arg0, %c0_i32 : i32, i32
  }
  func.func @transform_1(%arg0: i32) -> (i32, i32) {
    %c0_i32 = arith.constant 0 : i32
    %c0_i32_0 = arith.constant 0 : i32
    return %arg0, %c0_i32 : i32, i32
  }
}

module attributes {stable_mosaic.version = 14 : i64} {
  func.func @_merge_body(%arg0: i32, %arg1: memref<8x2048xf32, #tpu.memory_space<vmem>>, %arg2: memref<2x2048xf32, #tpu.memory_space<vmem>>, %arg3: memref<8x2048xf32, #tpu.memory_space<vmem>>) attributes {dimension_semantics = [#tpu.dimension_semantics<arbitrary>], iteration_bounds = array<i64: 2>, scalar_prefetch = 0 : i64, scratch_operands = 0 : i64, tpu.core_type = #tpu.core_type<tc>, window_params = [{transform_indices = @transform_0, window_bounds = array<i64: 8, 2048>}, {pipeline_mode = #tpu.pipeline_mode<synchronous>, transform_indices = @transform_1, window_bounds = array<i64: 2, 2048>}, {transform_indices = @transform_2, window_bounds = array<i64: 8, 2048>}]} {
    %get3A = arith.constant 0 : index
    %get3A_0 = arith.constant 0 : index
    %get3A_1 = vector.load %arg1[%get3A, %get3A_0] : memref<8x2048xf32, #tpu.memory_space<vmem>>, vector<8x2048xf32>
    %swap3A = arith.constant 0 : index
    %swap3A_2 = arith.constant 0 : index
    %swap3A_3 = vector.load %arg3[%swap3A, %swap3A_2] : memref<8x2048xf32, #tpu.memory_space<vmem>>, vector<8x2048xf32>
    tpu.vector_store %arg3[%swap3A, %swap3A_2], %get3A_1 {strides = array<i32>} : memref<8x2048xf32, #tpu.memory_space<vmem>>, vector<8x2048xf32>,
    %get3A_4 = arith.constant 7 : index
    %get3A_5 = arith.constant 0 : index
    %get3A_6 = vector.load %arg1[%get3A_4, %get3A_5] : memref<8x2048xf32, #tpu.memory_space<vmem>>, vector<1x2048xf32>
    %get3A_7 = vector.shape_cast %get3A_6 : vector<1x2048xf32> to vector<2048xf32>
    %mul3A = arith.mulf %get3A_7, %get3A_7 : vector<2048xf32>
    %reduce_sum3A = vector.shape_cast %mul3A : vector<2048xf32> to vector<1x2048xf32>
    %reduce_sum3A_8 = arith.constant dense<0.000000e+00> : vector<1xf32>
    %reduce_sum3A_9 = vector.multi_reduction <add>, %reduce_sum3A, %reduce_sum3A_8 [1] : vector<1x2048xf32> to vector<1xf32>
    %reduce_sum3A_10 = vector.shape_cast %reduce_sum3A_9 : vector<1xf32> to vector<1x1xf32>
    %reduce_sum3A_11 = vector.extract %reduce_sum3A_10[0, 0] : f32 from vector<1x1xf32>
    %sqrt3A = math.sqrt %reduce_sum3A_11 : f32
    %mul3A_12 = arith.constant 0.699999988 : f32
    %mul3A_13 = vector.broadcast %mul3A_12 : f32 to vector<2048xf32>
    %mul3A_14 = arith.mulf %mul3A_13, %get3A_7 : vector<2048xf32>
    %mul3A_15 = arith.constant 3.000000e-01 : f32
    %mul3A_16 = arith.mulf %mul3A_15, %sqrt3A : f32
    %get3A_17 = arith.index_cast %arg0 : i32 to index
    %get3A_18 = arith.constant 0 : index
    %get3A_19 = vector.load %arg2[%get3A_17, %get3A_18] : memref<2x2048xf32, #tpu.memory_space<vmem>>, vector<1x2048xf32>
    %get3A_20 = vector.shape_cast %get3A_19 : vector<1x2048xf32> to vector<2048xf32>
    %mul3A_21 = vector.broadcast %mul3A_16 : f32 to vector<2048xf32>
    %mul3A_22 = arith.mulf %mul3A_21, %get3A_20 : vector<2048xf32>
    %add3A = arith.addf %mul3A_14, %mul3A_22 : vector<2048xf32>
    %swap3A_23 = arith.constant 7 : index
    %swap3A_24 = arith.constant 0 : index
    %swap3A_25 = vector.load %arg3[%swap3A_23, %swap3A_24] : memref<8x2048xf32, #tpu.memory_space<vmem>>, vector<1x2048xf32>
    %swap3A_26 = vector.shape_cast %swap3A_25 : vector<1x2048xf32> to vector<2048xf32>
    %swap3A_27 = vector.shape_cast %add3A : vector<2048xf32> to vector<1x2048xf32>
    tpu.vector_store %arg3[%swap3A_23, %swap3A_24], %swap3A_27 {strides = array<i32>} : memref<8x2048xf32, #tpu.memory_space<vmem>>, vector<1x2048xf32>,
    return
  }
  func.func @transform_0(%arg0: i32) -> (i32, i32) {
    %add3A = arith.constant 1 : i32
    %add3A_0 = arith.addi %arg0, %add3A : i32
    %mul3A = arith.constant 1024 : i32
    %mul3A_1 = arith.muli %add3A_0, %mul3A : i32
    %sub3A = arith.constant 1 : i32
    %sub3A_2 = arith.subi %mul3A_1, %sub3A : i32
    %c0_i32 = arith.constant 0 : i32
    %c0_i32_3 = arith.constant 0 : i32
    return %sub3A_2, %c0_i32 : i32, i32
  }
  func.func @transform_1(%arg0: i32) -> (i32, i32) {
    %c0_i32 = arith.constant 0 : i32
    %c0_i32_0 = arith.constant 0 : i32
    %c0_i32_1 = arith.constant 0 : i32
    return %c0_i32, %c0_i32_0 : i32, i32
  }
  func.func @transform_2(%arg0: i32) -> (i32, i32) {
    %add3A = arith.constant 1 : i32
    %add3A_0 = arith.addi %arg0, %add3A : i32
    %mul3A = arith.constant 1024 : i32
    %mul3A_1 = arith.muli %add3A_0, %mul3A : i32
    %sub3A = arith.constant 1 : i32
    %sub3A_2 = arith.subi %mul3A_1, %sub3A : i32
    %c0_i32 = arith.constant 0 : i32
    %c0_i32_3 = arith.constant 0 : i32
    return %sub3A_2, %c0_i32 : i32, i32
  }
}

</mosaic_0001>

<sc_bundles>
// kernel: kernel.5.cloned.1.call-start
scs
__scs_entry_jumppad:
0x0: {  	(pc) =	sbr.rel $0x88, $3  }
0x1: {  	(tag) =	ssettag $0x0;
	lr =	simm.s32 $0x1  }
0x2: {  	[smem:$0x3F9F] =	sst lr;
	_ =	strace $0xD0000000  }
0x3: {  	_ = 	snop  }
0x4: {  	_ = 	snop  }
0x5: {  	_ = 	snop  }
0x6: {  	_ = 	snop  }
0x7: {  	_ = 	snop  }
__scs_overlays_trampoline_lowered:
0x8: {  	[smem:$0x3FAE] =	sst s0  }
0x9: {  	[smem:$0x3FAF] =	sst s1  }
0xa: {  	[smem:$0x3FB0] =	sst s2  }
0xb: {  	[smem:$0x3FB1] =	sst s3  }
0xc: {  	[smem:$0x3FB2] =	sst s4  }
0xd: {  	[smem:$0x3FB3] =	sst s5  }
0xe: {  	[smem:$0x3FB4] =	sst s6  }
0xf: {  	[smem:$0x3FB5] =	sst s7  }
0x10: {  	[smem:$0x3FB6] =	sst s8  }
0x11: {  	[smem:$0x3FB7] =	sst s9;
	s0 =	simm.s32 @!p0 $0x0  }
0x12: {  	s1 =	sld [smem:$0x3F9D];
	s0 =	simm.s32 @p0 $0x1  }
0x13: {  	[smem:$0x3FB8] =	sst s0;
	s0 =	simm.s32 @!p1 $0x0  }
0x14: {  	s2 =	sld [smem:$0x3F9C];
	s0 =	simm.s32 @p1 $0x1  }
0x15: {  	[smem:$0x3FB9] =	sst s0;
	s0 =	simm.s32 @!p2 $0x0  }
0x16: {  	s3 =	sld [smem:$0x3FDB];
	s0 =	simm.s32 @p2 $0x1  }
0x17: {  	s4 =	simm.s32 $0x1BF5;
	[smem:$0x3FBB] =	sst s0  }
0x18: {  	s0 =	sld [smem:$0x3F9E];
	_ =	swait.ge [sflag:s4], $0x0  }
0x19: {  	s7 =	sld [smem:$0x3F9F]  }
0x1a: {  	s8 =	sadd.s32 $0xFFFFE003, lr  }
0x1b: {  	s9 =	sadd.s32 $0xFFFFFEF7, lr;
	s5 =	simm.s32 $0xFFFFFFFF;
	p2 =	slt.u32 s8, $0xFFFFF086  }
0x1c: {  	p1 =	slt.u32 s9, $0xF7A;
	s5 =	simm.s32 @!p2 $0x0  }
0x1d: {  	s5 =	simm.s32 @p1 $0x1;
	p0 =	seq.s32 s7, s2  }
0x1e: {  	s7 =	smul.u32 @!p0 $0xF7A, s2;
	p2 =	seq.s32 @!p0 s5, $0x0  }
0x1f: {  	s9 =	smul.u32 $0xF7A, s1;
	s8 =	simm.s32 @!p0 $0x1BF5;
	p2 =	por !p2, p0  }
0x20: {  	[sflag:s8] =	ssyncset.s32 @!p0 $0xFFFFF086;
	s6 =	sadd.s32 @!p0 s3, s7;
	s7 =	simm.s32 @!p0 $0x108  }
0x21: {  	s3 =	sadd.s32 s3, s9;
	s6 =	sadd.s32 @!p0 $0x88, s6;
	s7 =	simm.s32 @p2 $0x1082  }
0x22: {  	[simem:s7], [sflag:s8] =	dma.local @!p0 [hbm:s6], $0xF7A  }
0x23: {  	s9 =	sor.u32 $0xD0000000, s2;
	s6 =	simm.s32 $0x108;
	_ =	swait.ge @!p0 [sflag:s8], $0x0  }
0x24: {  	s3 =	sadd.s32 $0x88, s3;
	s6 =	simm.s32 @!p1 $0x1082;
	[sflag:s4] =	ssyncset.s32 $0xFFFFF086  }
0x25: {  	[simem:s6], [sflag:s4] =	dma.local [hbm:s3], $0xF7A  }
0x26: {  	[smem:$0x3F9F] =	sst s1;
	(tag) =	ssettag s2;
	_ =	strace s9  }
0x27: {  	s1 =	sld [smem:$0x3FAF]  }
0x28: {  	s2 =	sld [smem:$0x3FB0]  }
0x29: {  	s4 =	sld [smem:$0x3FB2]  }
0x2a: {  	p0 =	seq.s32 s5, $0x0;
	s5 =	sld [smem:$0x3FB3]  }
0x2b: {  	s6 =	sld [smem:$0x3FB4]  }
0x2c: {  	s7 =	sld [smem:$0x3FB5]  }
0x2d: {  	s3 =	simm.s32 $0x108;
	s8 =	sld [smem:$0x3FB6]  }
0x2e: {  	s3 =	simm.s32 @!p0 $0x1082;
	s9 =	sld [smem:$0x3FB7]  }
0x2f: {  	lr =	sadd.s32 s0, s3;
	s0 =	sld [smem:$0x3FAE]  }
0x30: {  	s3 =	sld [smem:$0x3FB1]  }
0x31: {  	[smem:$0x3FBA] =	sst s10  }
0x32: {  	s10 =	sld [smem:$0x3FB8];
	_ =	sdelay $0x3  }
0x33: {  	p0 =	seq.s32 s10, $0x1;
	s10 =	sld [smem:$0x3FBA];
	_ =	sdelay $0x3  }
0x34: {  	[smem:$0x3FBA] =	sst s10  }
0x35: {  	s10 =	sld [smem:$0x3FB9];
	_ =	sdelay $0x3  }
0x36: {  	p1 =	seq.s32 s10, $0x1;
	s10 =	sld [smem:$0x3FBA];
	_ =	sdelay $0x3  }
0x37: {  	[smem:$0x3FBA] =	sst s10  }
0x38: {  	s10 =	sld [smem:$0x3FBB]  }
0x39: {  	_ = 	snop;
	(pc) =	sbr.ind lr, $3  }
0x3a: {  	_ = 	snop  }
0x3b: {  	_ = 	snop  }
0x3c: {  	p2 =	seq.s32 s10, $0x1;
	s10 =	sld [smem:$0x3FBA]  }
0x3d: {  	_ =	shalt  }
0x3e: {  	_ =	shalt  }
0x3f: {  	_ =	shalt  }
0x40: {  	_ =	shalt  }
0x41: {  	_ =	shalt  }
0x42: {  	_ =	shalt  }
0x43: {  	_ =	shalt  }
0x44: {  	_ =	shalt  }
0x45: {  	_ =	shalt  }
0x46: {  	_ =	shalt  }
0x47: {  	_ =	shalt  }
0x48: {  	_ =	shalt  }
0x49: {  	_ =	shalt  }
0x4a: {  	_ =	shalt  }
0x4b: {  	_ =	shalt  }
0x4c: {  	_ =	shalt  }
0x4d: {  	_ =	shalt  }
0x4e: {  	_ =	shalt  }
0x4f: {  	_ =	shalt  }
0x50: {  	_ =	shalt  }
0x51: {  	_ =	shalt  }
0x52: {  	_ =	shalt  }
0x53: {  	_ =	shalt  }
0x54: {  	_ =	shalt  }
0x55: {  	_ =	shalt  }
0x56: {  	_ =	shalt  }
0x57: {  	_ =	shalt  }
0x58: {  	_ =	shalt  }
0x59: {  	_ =	shalt  }
0x5a: {  	_ =	shalt  }
0x5b: {  	_ =	shalt  }
0x5c: {  	_ =	shalt  }
0x5d: {  	_ =	shalt  }
0x5e: {  	_ =	shalt  }
0x5f: {  	_ =	shalt  }
0x60: {  	_ =	shalt  }
0x61: {  	_ =	shalt  }
0x62: {  	_ =	shalt  }
0x63: {  	_ =	shalt  }
0x64: {  	_ =	shalt  }
0x65: {  	_ =	shalt  }
0x66: {  	_ =	shalt  }
0x67: {  	_ =	shalt  }
0x68: {  	_ =	shalt  }
0x69: {  	_ =	shalt  }
0x6a: {  	_ =	shalt  }
0x6b: {  	_ =	shalt  }
0x6c: {  	_ =	shalt  }
0x6d: {  	_ =	shalt  }
0x6e: {  	_ =	shalt  }
0x6f: {  	_ =	shalt  }
0x70: {  	_ =	shalt  }
0x71: {  	_ =	shalt  }
0x72: {  	_ =	shalt  }
0x73: {  	_ =	shalt  }
0x74: {  	_ =	shalt  }
0x75: {  	_ =	shalt  }
0x76: {  	_ =	shalt  }
0x77: {  	_ =	shalt  }
0x78: {  	_ =	shalt  }
0x79: {  	_ =	shalt  }
0x7a: {  	_ =	shalt  }
0x7b: {  	_ =	shalt  }
0x7c: {  	_ =	shalt  }
0x7d: {  	_ =	shalt  }
0x7e: {  	_ =	shalt  }
0x7f: {  	_ =	shalt  }
0x80: {  	_ =	shalt  }
0x81: {  	_ =	shalt  }
0x82: {  	_ =	shalt  }
0x83: {  	_ =	shalt  }
0x84: {  	_ =	shalt  }
0x85: {  	_ =	shalt  }
0x86: {  	_ =	shalt  }
0x87: {  	_ =	shalt  }
.Lfunc_end0:
.L_simem_size_0:
called_computation_lowered:
.L_overlay_start_0:
0x88: {  	s0 =	sld [smem:$0x3FD9]  }
0x89: {  	s1 =	sld [smem:$0x3FFE];
	_ =	sdelay $0x3  }
0x8a: {  	s0 =	sadd.s32 s1, s0  }
0x8b: {  	[smem:$0x3FC6] =	sst s0  }
0x8c: {  	_ = 	snop  }
0x8d: {  	s0 =	sld [smem:$0x3FC9]  }
0x8e: {  	s16 =	sld [smem:$0x3FC8];
	(tm) =	ssettm $0x1  }
0x8f: {  	s2 =	sld [smem:$0x3FFB];
	_ =	sdelay $0x3  }
0x90: {  	_ =	strace s2  }
0x91: {  	s2 =	sld [smem:$0x3FFC];
	_ =	sdelay $0x3  }
0x92: {  	_ =	strace s2  }
0x93: {  	s2 =	sld [smem:$0x3FFD];
	_ =	sdelay $0x3  }
0x94: {  	_ =	strace s2  }
0x95: {  	_ =	strace $0x8FFFFFFF  }
0x96: {  	s17 =	sld [smem:$0x3FDB];
	_ =	sdelay $0x1  }
0x97: {  	s3 =	simm.s32 $_scs_section_size  }
0x98: {  	s4 =	simm.s32 $_size__tile_overlayer_lowered;
	s5 =	simm.s32 $_tile_overlayer_lowered  }
0x99: {  	s20 =	simm.s32 $0x1BFF;
	s19 =	sshll.u32 s5, $0x1;
	s2 =	sadd.s32 s3, s17  }
0x9a: {  	s6 =	simm.s32 $0x0;
	s18 =	sshll.u32 s4, $0x1;
	s4 =	sadd.s32 s19, s2  }
0x9b: {  	[timem:s6], [sflag:s20] =	dma.local [hbm:s4], s18  }
0x9c: {  	_ =	swait.ge [sflag:s20], s18  }
0x9d: {  	s3 =	ssub.s32 $0x0, s18;
	[sflag:s20] =	ssyncset.done $0x0  }
0x9e: {  	[sflag:s20] =	ssyncadd.s32 s3;
	_ =	sdelay $0x1  }
0x9f: {  	s21 =	simm.s32 $0x1B8B  }
0xa0: {  	_ =	swait.ge [sflag:s21], $0x1  }
0xa1: {  	[sflag:s21] =	ssyncset.done $0x0  }
0xa2: {  	s23 =	simm.s32 $0x1B8E;
	s22 =	sld [smem:$0x3FFE];
	[sflag:s21] =	ssyncadd.s32 $0xFFFFFFFF  }
0xa3: {  	s24 =	simm.s32 $execute0_lowered;
	[smem:$0x3FD2] =	sst s23  }
0xa4: {  	s4 =	sshll.u32 s24, $0x1;
	_ =	strace $0x80000046;
	[dreg:$0x1] =	wrdreg $0xFFFFFFFF  }
0xa5: {  	s25 =	simm.s32 $_size_execute0_lowered;
	s2 =	sadd.s32 s2, s4;
	[dreg:$0x0] =	wrdreg $0x0  }
0xa6: {  	s4 =	sshll.u32 s25, $0x1;
	[dreg:$0x2] =	wrdreg s2  }
0xa7: {  	[dreg:$0x3] =	wrdreg s4  }
0xa8: {  	[dreg:$0x4] =	wrdreg $0xC0  }
0xa9: {  	_ =	task [dreg:s6], $0x5FFFF  }
0xaa: {  	[dreg:$0x1] =	wrdreg $0xFFFFFFFF  }
0xab: {  	[dreg:$0x0] =	wrdreg $0x60  }
0xac: {  	[dreg:$0x2] =	wrdreg s0  }
0xad: {  	[dreg:$0x3] =	wrdreg s16  }
0xae: {  	[dreg:$0x4] =	wrdreg s22  }
0xaf: {  	[dreg:$0x5] =	wrdreg $0x190800  }
0xb0: {  	[dreg:$0x6] =	wrdreg $0x9  }
0xb1: {  	_ =	task.clear_ibuf [dreg:s6], $0x7FFFF;
	_ =	strace $0x90000046  }
0xb2: {  	s26 =	simm.s32 $0x9;
	_ =	strace $0x80000048  }
0xb3: {  	_ =	swait.ge [sflag:s26], $0x1  }
0xb4: {  	[sflag:s26] =	ssyncadd.s32 $0xFFFFFFFF  }
0xb5: {  	_ =	strace $0x90000048  }
0xb6: {  	_ =	sfence  }
0xb7: {  	s28 =	sld [smem:$0x0];
	_ =	sdelay $0x1  }
0xb8: {  	s29 =	srdreg.scid  }
0xb9: {  	s30 =	sshll.u32 s29, $0xD;
	s31 =	sshrl.u32 s29, $0x2  }
0xba: {  	s1 =	sand.u32 $0x1, s29;
	s2 =	sand.u32 $0x4000, s30;
	s0 =	sadd.s32 s31, s28  }
0xbb: {  	s1 =	sor.u32 s2, s1;
	s0 =	sshll.u32 s0, $0x11  }
0xbc: {  	s0 =	sor.u32 s0, s1  }
0xbd: {  	s0 =	sadd.s32 $0x8F2B, s0  }
0xbe: {  	[sflag:s0] =	ssyncadd.remote.s32 $0x1  }
0xbf: {  	_ =	sfence.sel $0xFFFF  }
0xc0: {  	[dreg:$0x0] =	wrdreg $0xFFFFFFFF;
	(pc) =	sbr.abs _section_cstart, $3  }
0xc1: {  	[dreg:$0x1] =	wrdreg $0xFFFFFFFF  }
0xc2: {  	_ =	task.clear_ibuf [dreg:s6], $0x2FFFF;
	_ =	strace $0x9FFFFFFF  }
0xc3: {  	(tm) =	ssettm $0x7FFFFFFF  }
tec
execute0_lowered:
.L_overlay_start_1:
0x0: {  	(tag) =	ssettag $0x1  }
0x1: {  	s2 =	rddreg [dreg:$0x0]  }
0x2: {  	s1 =	rddreg [dreg:$0x1]  }
0x3: {  	s3 =	rddreg [dreg:$0x2]  }
0x4: {  	s4 =	rddreg [dreg:$0x3];
	s9 =	simm.s32 $0x0  }
0x5: {  	[smem:$0x7FF] =	sst s9  }
0x6: {  	s0 =	rddreg [dreg:$0x4];
	s5 =	sadd.s32 $0x1FF870, s2;
	_ =	strace $0x80000047  }
0x7: {  	[tilespmem:s9], [sflag:$0x2] =	stream.linear.gather [hbm4b:s5+s9], $0x80, $0x38;
	[tilespmem:$0x19910] =	vst v63  }
0x8: {  	s7 =	simm.s32 $0x100;
	s6 =	sadd.s32 $0x80, s5  }
0x9: {  	[tilespmem:s7], [sflag:$0x2] =	stream.linear.gather [hbm4b:s6+s9], $0x80, $0x38;
	[tilespmem:$0x19910] =	vst v63  }
0xa: {  	s18 =	simm.s32 $0x200;
	s17 =	sadd.s32 $0x100, s5  }
0xb: {  	[tilespmem:s18], [sflag:$0x2] =	stream.linear.gather [hbm4b:s17+s9], $0x80, $0x38;
	[tilespmem:$0x19910] =	vst v63  }
0xc: {  	s20 =	simm.s32 $0x300;
	s19 =	sadd.s32 $0x180, s5  }
0xd: {  	[tilespmem:s20], [sflag:$0x2] =	stream.linear.gather [hbm4b:s19+s9], $0x80, $0x38;
	[tilespmem:$0x19910] =	vst v63  }
0xe: {  	s22 =	simm.s32 $0x400;
	s21 =	sadd.s32 $0x200, s5  }
0xf: {  	[tilespmem:s22], [sflag:$0x2] =	stream.linear.gather [hbm4b:s21+s9], $0x80, $0x38;
	[tilespmem:$0x19910] =	vst v63  }
0x10: {  	s24 =	simm.s32 $0x500;
	s23 =	sadd.s32 $0x280, s5  }
0x11: {  	[tilespmem:s24], [sflag:$0x2] =	stream.linear.gather [hbm4b:s23+s9], $0x80, $0x38;
	[tilespmem:$0x19910] =	vst v63  }
0x12: {  	s26 =	simm.s32 $0x600;
	s25 =	sadd.s32 $0x300, s5  }
0x13: {  	[tilespmem:s26], [sflag:$0x2] =	stream.linear.gather [hbm4b:s25+s9], $0x80, $0x38;
	[tilespmem:$0x19910] =	vst v63  }
0x14: {  	s29 =	simm.s32 $0x700;
	s28 =	sadd.s32 $0x380, s5  }
0x15: {  	[tilespmem:s29], [sflag:$0x2] =	stream.linear.gather [hbm4b:s28+s9], $0x80, $0x38;
	[tilespmem:$0x19910] =	vst v63  }
0x16: {  	s31 =	simm.s32 $0x800;
	s30 =	sadd.s32 $0x400, s5  }
0x17: {  	[tilespmem:s31], [sflag:$0x2] =	stream.linear.gather [hbm4b:s30+s9], $0x80, $0x38;
	[tilespmem:$0x19910] =	vst v63  }
0x18: {  	s10 =	simm.s32 $0x900;
	s8 =	sadd.s32 $0x480, s5  }
0x19: {  	[tilespmem:s10], [sflag:$0x2] =	stream.linear.gather [hbm4b:s8+s9], $0x80, $0x38;
	[tilespmem:$0x19910] =	vst v63  }
0x1a: {  	s12 =	simm.s32 $0xA00;
	s11 =	sadd.s32 $0x500, s5  }
0x1b: {  	[tilespmem:s12], [sflag:$0x2] =	stream.linear.gather [hbm4b:s11+s9], $0x80, $0x38;
	[tilespmem:$0x19910] =	vst v63  }
0x1c: {  	s14 =	simm.s32 $0xB00;
	s13 =	sadd.s32 $0x580, s5  }
0x1d: {  	[tilespmem:s14], [sflag:$0x2] =	stream.linear.gather [hbm4b:s13+s9], $0x80, $0x38;
	[tilespmem:$0x19910] =	vst v63  }
0x1e: {  	s16 =	simm.s32 $0xC00;
	s15 =	sadd.s32 $0x600, s5  }
0x1f: {  	[tilespmem:s16], [sflag:$0x2] =	stream.linear.gather [hbm4b:s15+s9], $0x80, $0x38;
	[tilespmem:$0x19910] =	vst v63  }
0x20: {  	s17 =	sadd.s32 $0x680, s5;
	s18 =	simm.s32 $0xD00  }
0x21: {  	[tilespmem:s18], [sflag:$0x2] =	stream.linear.gather [hbm4b:s17+s9], $0x80, $0x38;
	[tilespmem:$0x19910] =	vst v63  }
0x22: {  	s19 =	sadd.s32 $0x700, s5;
	s20 =	simm.s32 $0xE00  }
0x23: {  	[tilespmem:s20], [sflag:$0x2] =	stream.linear.gather [hbm4b:s19+s9], $0x80, $0x38;
	[tilespmem:$0x19910] =	vst v63  }
0x24: {  	s5 =	sadd.s32 $0x780, s5;
	s21 =	simm.s32 $0xF00  }
0x25: {  	[tilespmem:s21], [sflag:$0x2] =	stream.linear.gather [hbm4b:s5+s9], $0x80, $0x38;
	[tilespmem:$0x19910] =	vst v63  }
0x26: {  	s5 =	simm.s32 $0x2  }
0x27: {  	_ =	swait.ge [sflag:s5], $0x800  }
0x28: {  	[sflag:s5] =	ssyncset.done $0x0  }
0x29: {  	s2 =	sadd.s32 $0x3FF870, s2;
	s22 =	simm.s32 $0x80;
	[sflag:s5] =	ssyncadd.s32 $0xFFFFF800  }
0x2a: {  	[tilespmem:s22], [sflag:$0x2] =	stream.linear.gather [hbm4b:s2+s9], $0x80, $0x38;
	[tilespmem:$0x19910] =	vst v63  }
0x2b: {  	s23 =	sadd.s32 $0x80, s2;
	s24 =	simm.s32 $0x180  }
0x2c: {  	[tilespmem:s24], [sflag:$0x2] =	stream.linear.gather [hbm4b:s23+s9], $0x80, $0x38;
	[tilespmem:$0x19910] =	vst v63  }
0x2d: {  	s25 =	sadd.s32 $0x100, s2;
	s26 =	simm.s32 $0x280  }
0x2e: {  	[tilespmem:s26], [sflag:$0x2] =	stream.linear.gather [hbm4b:s25+s9], $0x80, $0x38;
	[tilespmem:$0x19910] =	vst v63  }
0x2f: {  	s28 =	sadd.s32 $0x180, s2;
	s29 =	simm.s32 $0x380  }
0x30: {  	[tilespmem:s29], [sflag:$0x2] =	stream.linear.gather [hbm4b:s28+s9], $0x80, $0x38;
	[tilespmem:$0x19910] =	vst v63  }
0x31: {  	s30 =	sadd.s32 $0x200, s2;
	s31 =	simm.s32 $0x480  }
0x32: {  	[tilespmem:s31], [sflag:$0x2] =	stream.linear.gather [hbm4b:s30+s9], $0x80, $0x38;
	[tilespmem:$0x19910] =	vst v63  }
0x33: {  	s7 =	sadd.s32 $0x280, s2;
	s8 =	simm.s32 $0x580  }
0x34: {  	[tilespmem:s8], [sflag:$0x2] =	stream.linear.gather [hbm4b:s7+s9], $0x80, $0x38;
	[tilespmem:$0x19910] =	vst v63  }
0x35: {  	s10 =	sadd.s32 $0x300, s2;
	s11 =	simm.s32 $0x680  }
0x36: {  	[tilespmem:s11], [sflag:$0x2] =	stream.linear.gather [hbm4b:s10+s9], $0x80, $0x38;
	[tilespmem:$0x19910] =	vst v63  }
0x37: {  	s12 =	sadd.s32 $0x380, s2;
	s13 =	simm.s32 $0x780  }
0x38: {  	[tilespmem:s13], [sflag:$0x2] =	stream.linear.gather [hbm4b:s12+s9], $0x80, $0x38;
	[tilespmem:$0x19910] =	vst v63  }
0x39: {  	s14 =	sadd.s32 $0x400, s2;
	s15 =	simm.s32 $0x880  }
0x3a: {  	[tilespmem:s15], [sflag:$0x2] =	stream.linear.gather [hbm4b:s14+s9], $0x80, $0x38;
	[tilespmem:$0x19910] =	vst v63  }
0x3b: {  	s16 =	sadd.s32 $0x480, s2;
	s17 =	simm.s32 $0x980  }
0x3c: {  	[tilespmem:s17], [sflag:$0x2] =	stream.linear.gather [hbm4b:s16+s9], $0x80, $0x38;
	[tilespmem:$0x19910] =	vst v63  }
0x3d: {  	s18 =	sadd.s32 $0x500, s2;
	s19 =	simm.s32 $0xA80  }
0x3e: {  	[tilespmem:s19], [sflag:$0x2] =	stream.linear.gather [hbm4b:s18+s9], $0x80, $0x38;
	[tilespmem:$0x19910] =	vst v63  }
0x3f: {  	s20 =	sadd.s32 $0x580, s2;
	s21 =	simm.s32 $0xB80  }
0x40: {  	[tilespmem:s21], [sflag:$0x2] =	stream.linear.gather [hbm4b:s20+s9], $0x80, $0x38;
	[tilespmem:$0x19910] =	vst v63  }
0x41: {  	s22 =	sadd.s32 $0x600, s2;
	s23 =	simm.s32 $0xC80  }
0x42: {  	[tilespmem:s23], [sflag:$0x2] =	stream.linear.gather [hbm4b:s22+s9], $0x80, $0x38;
	[tilespmem:$0x19910] =	vst v63  }
0x43: {  	s24 =	sadd.s32 $0x680, s2;
	s25 =	simm.s32 $0xD80  }
0x44: {  	[tilespmem:s25], [sflag:$0x2] =	stream.linear.gather [hbm4b:s24+s9], $0x80, $0x38;
	[tilespmem:$0x19910] =	vst v63  }
0x45: {  	s26 =	sadd.s32 $0x700, s2;
	s28 =	simm.s32 $0xE80  }
0x46: {  	[tilespmem:s28], [sflag:$0x2] =	stream.linear.gather [hbm4b:s26+s9], $0x80, $0x38;
	[tilespmem:$0x19910] =	vst v63  }
0x47: {  	s2 =	sadd.s32 $0x780, s2;
	s29 =	simm.s32 $0xF80  }
0x48: {  	[tilespmem:s29], [sflag:$0x2] =	stream.linear.gather [hbm4b:s2+s9], $0x80, $0x38;
	[tilespmem:$0x19910] =	vst v63  }
0x49: {  	s2 =	stileid.u32;
	_ =	swait.ge [sflag:s5], $0x800  }
0x4a: {  	s3 =	sadd.s32 $0x600, s3;
	s30 =	sshll.u32 s2, $0xE;
	[sflag:s5] =	ssyncset.done $0x0  }
0x4b: {  	s31 =	simm.s32 $0x1000;
	s6 =	sadd.s32 s1, s30;
	[sflag:s5] =	ssyncadd.s32 $0xFFFFF800  }
0x4c: {  	[tilespmem:s31], [sflag:$0x2] =	stream.linear.gather [hbm4b:s6+s9], $0x10000, $0x38;
	[tilespmem:$0x19910] =	vst v63  }
0x4d: {  	s7 =	simm.s32 $0x0;
	s8 =	simm.f32 $-3.000000010e+38;
	_ =	swait.ge [sflag:s5], $0x10000  }
0x4e: {  	s11 =	simm.s32 $0x0;
	s10 =	sshll.u32 s2, $0x6;
	[sflag:s5] =	ssyncset.done $0x0  }
0x4f: {  	s6 =	simm.s32 $0x0;
	[sflag:s5] =	ssyncadd.s32 $0xFFFF0000;
	s5 =	simm.f32 $-3.000000010e+38  }
.LBB2_1:
0x50: {  	s12 =	simm.s32 $0x0  }
0x51: {  	s13 =	sand.u32 $0x40, s9;
	s14 =	sand.u32 $0x3FFFFF00, s12  }
0x52: {  	s22 =	sshll.u32 s11, $0xB;
	s16 =	sor.u32 s13, s14  }
0x53: {  	s15 =	sshll.u32 s11, $0x7;
	s23 =	simm.s32 $0x0;
	s17 =	sor.u32 $0x20, s13;
	v1 =	vld [tilespmem:s16+$0x0]  }
0x54: {  	s12 =	sand.u32 $0xC000, s22;
	s15 =	sand.u32 $0x380, s15;
	s24 =	sor.u32 s17, s14;
	v2 =	vld [tilespmem:s16+$0x80]  }
0x55: {  	s18 =	sor.u32 $0x30, s13;
	s19 =	sor.u32 $0x10, s13;
	s12 =	sor.u32 s15, s12;
	v0 =	vld [tilespmem:s24+$0x0]  }
0x56: {  	s15 =	sand.u32 $0x3FFFFC00, s23;
	s25 =	sor.u32 s18, s14;
	s12 =	sor.u32 $0x1000, s12;
	v4 =	vld [tilespmem:s24+$0x80]  }
0x57: {  	s14 =	sor.u32 s19, s14;
	v5 =	vld [tilespmem:s25+$0x0];
	s15 =	sadd.s32 s15, s12  }
0x58: {  	v7 =	vld [tilespmem:s14+$0x0];
	s17 =	sadd.s32 s17, s15  }
0x59: {  	s13 =	sadd.s32 s13, s15;
	v6 =	vld [tilespmem:s17+$0x0]  }
0x5a: {  	s26 =	sadd.s32 s19, s15;
	v9 =	vld [tilespmem:s13+$0x0]  }
0x5b: {  	v10 =	vld [tilespmem:s26+$0x0]  }
0x5c: {  	s28 =	simm.s32 $0x80;
	v8 =	vld [tilespmem:s14+$0x80];
	s15 =	sadd.s32 s18, s15;
	s13 =	simm.s32 $0x40  }
0x5d: {  	s17 =	sand.u32 $0x3FFFFF00, s28;
	v11 =	vld [tilespmem:s15+$0x0];
	s14 =	sand.u32 $0x40, s13  }
0x5e: {  	v12 =	vld [tilespmem:s25+$0x80];
	s29 =	sor.u32 s14, s17  }
0x5f: {  	s20 =	sor.u32 $0x20, s14;
	v3 =	vld [tilespmem:s29+$0x0];
	v13 =	vmul.f32 v0, v6;
	v1 =	vmul.f32 v1, v9  }
0x60: {  	s30 =	simm.s32 $0x200;
	s31 =	sor.u32 s20, s17;
	v0 =	vld [tilespmem:s29+$0x80];
	v9 =	vmul.f32 v2, v9;
	v7 =	vmul.f32 v7, v10  }
0x61: {  	v14 =	vimm.f32 $0.0e+00;
	s16 =	sand.u32 $0x3FFFFC00, s30;
	s15 =	sor.u32 $0x30, s14;
	v2 =	vld [tilespmem:s31+$0x0];
	v15 =	vmul.f32 v8, v10;
	v16 =	vmul.f32 v4, v6  }
0x62: {  	s18 =	sadd.s32 s16, s12;
	s16 =	sor.u32 s15, s17;
	v4 =	vld [tilespmem:s31+$0x80];
	v8 =	vmul.f32 v5, v11;
	v6 =	vadd.f32 v1, v14;
	v17 =	vadd.f32 v9, v14  }
0x63: {  	s19 =	sor.u32 $0x10, s14;
	s21 =	sadd.s32 s20, s18;
	v11 =	vmul.f32 v12, v11;
	v1 =	vld [tilespmem:s16+$0x0];
	v10 =	vadd.f32 v7, v14;
	v9 =	vadd.f32 v15, v14  }
0x64: {  	s20 =	sor.u32 s19, s17;
	s17 =	simm.s32 $0x2;
	v7 =	vld [tilespmem:s21+$0x0];
	v6 =	vadd.f32 v13, v6;
	v5 =	vadd.f32 v16, v17  }
.LBB2_2:
0x65: {  	p0 =	sne.s32 s17, $0x1F;
	v12 =	vld [tilespmem:s20+$0x0];
	v10 =	vadd.f32 v8, v10;
	v9 =	vadd.f32 v11, v9  }
0x66: {  	s14 =	sadd.s32 s14, s18;
	v8 =	vld [tilespmem:s20+$0x80]  }
0x67: {  	v11 =	vld [tilespmem:s14+$0x0];
	s14 =	sadd.s32 s19, s18  }
0x68: {  	s15 =	sadd.s32 s15, s18;
	s13 =	sadd.s32 $0x40, s13;
	s19 =	sshll.u32 s17, $0x7;
	v13 =	vld [tilespmem:s14+$0x0]  }
0x69: {  	s14 =	sand.u32 $0x40, s13;
	s20 =	sand.u32 $0x3FFFFF00, s19;
	v14 =	vld [tilespmem:s15+$0x0]  }
0x6a: {  	s15 =	sor.u32 s14, s20;
	v15 =	vld [tilespmem:s16+$0x80]  }
0x6b: {  	s21 =	sor.u32 $0x20, s14;
	v17 =	vmul.f32 v2, v7;
	v18 =	vmul.f32 v4, v7;
	v16 =	vld [tilespmem:s15+$0x0]  }
.Ltmp0:
0x6c: {  	s16 =	sshll.u32 s17, $0x9;
	s19 =	sor.u32 s21, s20;
	v3 =	vmul.f32 v3, v11;
	v7 =	vmul.f32 v0, v11;
	v0 =	vld [tilespmem:s15+$0x80];
	(pc) =	sbr.rel @p0 .LBB2_2-.Ltmp0, $4  }
0x6d: {  	s16 =	sand.u32 $0x3FFFFC00, s16;
	s15 =	sor.u32 $0x30, s14;
	v2 =	vld [tilespmem:s19+$0x0];
	v11 =	vmul.f32 v12, v13;
	v12 =	vmul.f32 v8, v13  }
0x6e: {  	s18 =	sadd.s32 s16, s12;
	s16 =	sor.u32 s15, s20;
	v4 =	vld [tilespmem:s19+$0x80];
	v13 =	vadd.f32 v3, v6;
	v5 =	vadd.f32 v7, v5;
	v8 =	vmul.f32 v1, v14  }
0x6f: {  	s21 =	sadd.s32 s21, s18;
	s19 =	sor.u32 $0x10, s14;
	v1 =	vld [tilespmem:s16+$0x0];
	v10 =	vadd.f32 v11, v10;
	v9 =	vadd.f32 v12, v9;
	v11 =	vmul.f32 v15, v14  }
0x70: {  	s17 =	sadd.s32 $0x1, s17;
	s20 =	sor.u32 s19, s20;
	v7 =	vld [tilespmem:s21+$0x0];
	v6 =	vadd.f32 v17, v13;
	v5 =	vadd.f32 v18, v5;
	v3 =	vmov v16  }
0x71: {  	v12 =	vld [tilespmem:s20+$0x0];
	s12 =	sadd.s32 s14, s18  }
0x72: {  	s30 =	sadd.s32 s19, s18;
	v13 =	vld [tilespmem:s12+$0x0]  }
0x73: {  	v14 =	vld [tilespmem:s30+$0x0]  }
0x74: {  	s31 =	sadd.s32 s15, s18  }
0x75: {  	v16 =	vld [tilespmem:s31+$0x0];
	_ =	sdelay $0x2  }
0x76: {  	v15 =	vld [tilespmem:s20+$0x80];
	v55 =	vadd.f32 v8, v10;
	v3 =	vmul.f32 v3, v13;
	v56 =	vmul.f32 v12, v14  }
0x77: {  	v2 =	vmul.f32 v2, v7  }
0x78: {  	v17 =	vld [tilespmem:s16+$0x80];
	v1 =	vmul.f32 v1, v16;
	v3 =	vadd.f32 v3, v6;
	v58 =	vadd.f32 v56, v55;
	_ =	sdelay $0x1  }
0x79: {  	v2 =	vadd.f32 v2, v3;
	v1 =	vadd.f32 v1, v58  }
0x7a: {  	v9 =	vadd.f32 v11, v9;
	v0 =	vmul.f32 v0, v13;
	v57 =	vmul.f32 v15, v14  }
0x7b: {  	v4 =	vmul.f32 v4, v7;
	v1 =	vadd.f32 v1, v2  }
0x7c: {  	v60 =	vmul.f32 v17, v16;
	v0 =	vadd.f32 v0, v5;
	v59 =	vadd.f32 v57, v9  }
0x7d: {  	(xrf2) =	vadd.scan.msk.f32 $0xffff, v1  }
0x7e: {  	v0 =	vadd.f32 v4, v0;
	v61 =	vadd.f32 v60, v59;
	_ =	sdelay $0x1  }
0x7f: {  	v0 =	vadd.f32 v61, v0;
	_ =	sdelay $0x1  }
0x80: {  	(xrf2) =	vadd.scan.msk.f32 $0xffff, v0;
	_ =	sdelay $0x4  }
0x81: {  	v62, _, _ =	vpop (xrf2)  }
0x82: {  	(v2sf) =	vpush v62, $0xF;
	_ =	sdelay $0x3  }
0x83: {  	v63, _, _ =	vpop (xrf2)  }
0x84: {  	(v2sf) =	vpush v63, $0xF;
	_ =	sdelay $0x9  }
0x85: {  	s12 =	spop (v2sf)  }
0x86: {  	p0 =	sgt.f32 s12, s8  }
0x87: {  	s14 =	sor.u32 s10, s11;
	s11 =	sadd.s32 $0x1, s11  }
0x88: {  	s8 =	smov.u32 @p0 s12;
	s7 =	smov.u32 @p0 s14;
	p0 =	sne.s32 s11, $0x20  }
.Ltmp1:
0x89: {  	_ = 	snop;
	(pc) =	sbr.rel @p0 .LBB2_1-.Ltmp1, $3  }
0x8a: {  	s13 =	spop (v2sf)  }
0x8b: {  	p1 =	sgt.f32 s13, s5;
	_ =	sdelay $0x1  }
0x8c: {  	s5 =	smov.u32 @p1 s13;
	s6 =	smov.u32 @p1 s14  }
0x8d: {  	s9 =	sor.u32 $0x20, s10  }
0x8e: {  	s12 =	simm.s32 $0x1000;
	s10 =	sshll.u32 s9, $0x8  }
0x8f: {  	s31 =	simm.s32 $0x2;
	s11 =	sadd.s32 s1, s10;
	s10 =	simm.s32 $0x0  }
0x90: {  	[tilespmem:s12], [sflag:$0x2] =	stream.linear.gather [hbm4b:s11+s10], $0x10000, $0x38;
	[tilespmem:$0x19910] =	vst v63  }
0x91: {  	_ =	swait.ge [sflag:s31], $0x10000  }
0x92: {  	[sflag:s31] =	ssyncset.done $0x0  }
0x93: {  	s11 =	simm.s32 $0x0;
	[sflag:s31] =	ssyncadd.s32 $0xFFFF0000  }
.LBB2_5:
0x94: {  	s12 =	simm.s32 $0x0  }
0x95: {  	s13 =	sand.u32 $0x40, s10;
	s14 =	sand.u32 $0x3FFFFF00, s12  }
0x96: {  	s22 =	sshll.u32 s11, $0xB;
	s16 =	sor.u32 s13, s14  }
0x97: {  	s15 =	sshll.u32 s11, $0x7;
	s23 =	simm.s32 $0x0;
	s17 =	sor.u32 $0x20, s13;
	v1 =	vld [tilespmem:s16+$0x0]  }
0x98: {  	s12 =	sand.u32 $0xC000, s22;
	s15 =	sand.u32 $0x380, s15;
	s24 =	sor.u32 s17, s14;
	v2 =	vld [tilespmem:s16+$0x80]  }
0x99: {  	s18 =	sor.u32 $0x30, s13;
	s19 =	sor.u32 $0x10, s13;
	s12 =	sor.u32 s15, s12;
	v0 =	vld [tilespmem:s24+$0x0]  }
0x9a: {  	s15 =	sand.u32 $0x3FFFFC00, s23;
	s25 =	sor.u32 s18, s14;
	s12 =	sor.u32 $0x1000, s12;
	v4 =	vld [tilespmem:s24+$0x80]  }
0x9b: {  	s14 =	sor.u32 s19, s14;
	v5 =	vld [tilespmem:s25+$0x0];
	s15 =	sadd.s32 s15, s12  }
0x9c: {  	v7 =	vld [tilespmem:s14+$0x0];
	s17 =	sadd.s32 s17, s15  }
0x9d: {  	s13 =	sadd.s32 s13, s15;
	v6 =	vld [tilespmem:s17+$0x0]  }
0x9e: {  	s26 =	sadd.s32 s19, s15;
	v9 =	vld [tilespmem:s13+$0x0]  }
0x9f: {  	v10 =	vld [tilespmem:s26+$0x0]  }
0xa0: {  	s28 =	simm.s32 $0x80;
	v8 =	vld [tilespmem:s14+$0x80];
	s15 =	sadd.s32 s18, s15;
	s13 =	simm.s32 $0x40  }
0xa1: {  	s17 =	sand.u32 $0x3FFFFF00, s28;
	v11 =	vld [tilespmem:s15+$0x0];
	s14 =	sand.u32 $0x40, s13  }
0xa2: {  	v12 =	vld [tilespmem:s25+$0x80];
	s29 =	sor.u32 s14, s17  }
0xa3: {  	s20 =	sor.u32 $0x20, s14;
	v3 =	vld [tilespmem:s29+$0x0];
	v13 =	vmul.f32 v0, v6;
	v1 =	vmul.f32 v1, v9  }
0xa4: {  	s30 =	simm.s32 $0x200;
	s31 =	sor.u32 s20, s17;
	v0 =	vld [tilespmem:s29+$0x80];
	v9 =	vmul.f32 v2, v9;
	v7 =	vmul.f32 v7, v10  }
0xa5: {  	v14 =	vimm.f32 $0.0e+00;
	s16 =	sand.u32 $0x3FFFFC00, s30;
	s15 =	sor.u32 $0x30, s14;
	v2 =	vld [tilespmem:s31+$0x0];
	v15 =	vmul.f32 v8, v10;
	v16 =	vmul.f32 v4, v6  }
0xa6: {  	s18 =	sadd.s32 s16, s12;
	s16 =	sor.u32 s15, s17;
	v4 =	vld [tilespmem:s31+$0x80];
	v8 =	vmul.f32 v5, v11;
	v6 =	vadd.f32 v1, v14;
	v17 =	vadd.f32 v9, v14  }
0xa7: {  	s19 =	sor.u32 $0x10, s14;
	s21 =	sadd.s32 s20, s18;
	v11 =	vmul.f32 v12, v11;
	v1 =	vld [tilespmem:s16+$0x0];
	v10 =	vadd.f32 v7, v14;
	v9 =	vadd.f32 v15, v14  }
0xa8: {  	s20 =	sor.u32 s19, s17;
	s17 =	simm.s32 $0x2;
	v7 =	vld [tilespmem:s21+$0x0];
	v6 =	vadd.f32 v13, v6;
	v5 =	vadd.f32 v16, v17  }
.LBB2_6:
0xa9: {  	p0 =	sne.s32 s17, $0x1F;
	v12 =	vld [tilespmem:s20+$0x0];
	v10 =	vadd.f32 v8, v10;
	v9 =	vadd.f32 v11, v9  }
0xaa: {  	s14 =	sadd.s32 s14, s18;
	v8 =	vld [tilespmem:s20+$0x80]  }
0xab: {  	v11 =	vld [tilespmem:s14+$0x0];
	s14 =	sadd.s32 s19, s18  }
0xac: {  	s15 =	sadd.s32 s15, s18;
	s13 =	sadd.s32 $0x40, s13;
	s19 =	sshll.u32 s17, $0x7;
	v13 =	vld [tilespmem:s14+$0x0]  }
0xad: {  	s14 =	sand.u32 $0x40, s13;
	s20 =	sand.u32 $0x3FFFFF00, s19;
	v14 =	vld [tilespmem:s15+$0x0]  }
0xae: {  	s15 =	sor.u32 s14, s20;
	v15 =	vld [tilespmem:s16+$0x80]  }
0xaf: {  	s21 =	sor.u32 $0x20, s14;
	v17 =	vmul.f32 v2, v7;
	v18 =	vmul.f32 v4, v7;
	v16 =	vld [tilespmem:s15+$0x0]  }
.Ltmp2:
0xb0: {  	s16 =	sshll.u32 s17, $0x9;
	s19 =	sor.u32 s21, s20;
	v3 =	vmul.f32 v3, v11;
	v7 =	vmul.f32 v0, v11;
	v0 =	vld [tilespmem:s15+$0x80];
	(pc) =	sbr.rel @p0 .LBB2_6-.Ltmp2, $4  }
0xb1: {  	s16 =	sand.u32 $0x3FFFFC00, s16;
	s15 =	sor.u32 $0x30, s14;
	v2 =	vld [tilespmem:s19+$0x0];
	v11 =	vmul.f32 v12, v13;
	v12 =	vmul.f32 v8, v13  }
0xb2: {  	s18 =	sadd.s32 s16, s12;
	s16 =	sor.u32 s15, s20;
	v4 =	vld [tilespmem:s19+$0x80];
	v13 =	vadd.f32 v3, v6;
	v5 =	vadd.f32 v7, v5;
	v8 =	vmul.f32 v1, v14  }
0xb3: {  	s21 =	sadd.s32 s21, s18;
	s19 =	sor.u32 $0x10, s14;
	v1 =	vld [tilespmem:s16+$0x0];
	v10 =	vadd.f32 v11, v10;
	v9 =	vadd.f32 v12, v9;
	v11 =	vmul.f32 v15, v14  }
0xb4: {  	s17 =	sadd.s32 $0x1, s17;
	s20 =	sor.u32 s19, s20;
	v7 =	vld [tilespmem:s21+$0x0];
	v6 =	vadd.f32 v17, v13;
	v5 =	vadd.f32 v18, v5;
	v3 =	vmov v16  }
0xb5: {  	v12 =	vld [tilespmem:s20+$0x0];
	s12 =	sadd.s32 s14, s18  }
0xb6: {  	s30 =	sadd.s32 s19, s18;
	v13 =	vld [tilespmem:s12+$0x0]  }
0xb7: {  	v14 =	vld [tilespmem:s30+$0x0]  }
0xb8: {  	s31 =	sadd.s32 s15, s18  }
0xb9: {  	v16 =	vld [tilespmem:s31+$0x0];
	_ =	sdelay $0x2  }
0xba: {  	v15 =	vld [tilespmem:s20+$0x80];
	v55 =	vadd.f32 v8, v10;
	v3 =	vmul.f32 v3, v13;
	v56 =	vmul.f32 v12, v14  }
0xbb: {  	v2 =	vmul.f32 v2, v7  }
0xbc: {  	v17 =	vld [tilespmem:s16+$0x80];
	v1 =	vmul.f32 v1, v16;
	v3 =	vadd.f32 v3, v6;
	v58 =	vadd.f32 v56, v55;
	_ =	sdelay $0x1  }
0xbd: {  	v2 =	vadd.f32 v2, v3;
	v1 =	vadd.f32 v1, v58  }
0xbe: {  	v9 =	vadd.f32 v11, v9;
	v0 =	vmul.f32 v0, v13;
	v57 =	vmul.f32 v15, v14  }
0xbf: {  	v4 =	vmul.f32 v4, v7;
	v1 =	vadd.f32 v1, v2  }
0xc0: {  	v60 =	vmul.f32 v17, v16;
	v0 =	vadd.f32 v0, v5;
	v59 =	vadd.f32 v57, v9  }
0xc1: {  	(xrf2) =	vadd.scan.msk.f32 $0xffff, v1  }
0xc2: {  	v0 =	vadd.f32 v4, v0;
	v61 =	vadd.f32 v60, v59;
	_ =	sdelay $0x1  }
0xc3: {  	v0 =	vadd.f32 v61, v0;
	_ =	sdelay $0x1  }
0xc4: {  	(xrf2) =	vadd.scan.msk.f32 $0xffff, v0;
	_ =	sdelay $0x4  }
0xc5: {  	v62, _, _ =	vpop (xrf2)  }
0xc6: {  	(v2sf) =	vpush v62, $0xF;
	_ =	sdelay $0x3  }
0xc7: {  	v63, _, _ =	vpop (xrf2)  }
0xc8: {  	(v2sf) =	vpush v63, $0xF;
	_ =	sdelay $0x9  }
0xc9: {  	s12 =	spop (v2sf)  }
0xca: {  	p0 =	sgt.f32 s12, s8  }
0xcb: {  	s14 =	sor.u32 s9, s11;
	s11 =	sadd.s32 $0x1, s11  }
0xcc: {  	s8 =	smov.u32 @p0 s12;
	s7 =	smov.u32 @p0 s14;
	p0 =	sne.s32 s11, $0x20  }
.Ltmp3:
0xcd: {  	_ = 	snop;
	(pc) =	sbr.rel @p0 .LBB2_5-.Ltmp3, $3  }
0xce: {  	s13 =	spop (v2sf)  }
0xcf: {  	p1 =	sgt.f32 s13, s5;
	_ =	sdelay $0x1  }
0xd0: {  	s5 =	smov.u32 @p1 s13;
	s6 =	smov.u32 @p1 s14  }
0xd1: {  	v0 =	vmov s8;
	vm0 =	vcmask $0x300  }
0xd2: {  	s7 =	scvt.s32.f32 s7;
	vm13 =	vcmask $0x704;
	v0 =	vnsel vm0, $0x0, v0  }
0xd3: {  	s6 =	scvt.s32.f32 s6;
	vm14 =	vcmask $0xB08;
	v0 =	vsel vm13, s5, v0  }
0xd4: {  	vm15 =	vcmask $0xF0C;
	v0 =	vsel vm14, s7, v0  }
0xd5: {  	s24 =	sshll.u32 s2, $0x7;
	v0 =	vsel vm15, s6, v0  }
0xd6: {  	s25 =	simm.s32 $0x19000;
	s5 =	sadd.s32 s24, s4;
	[tilespmem:$0x19000] =	vst v0  }
0xd7: {  	[spmem:s5] =	stream.linear.scatter [tilespmem:s25], [sflag:$0x2], $0x80, $0x38;
	[tilespmem:$0x19910] =	vst v63  }
0xd8: {  	s5 =	simm.s32 $0x2  }
0xd9: {  	_ =	swait.ge [sflag:s5], $0x80  }
0xda: {  	[sflag:s5] =	ssyncset.done $0x0  }
0xdb: {  	[sflag:s5] =	ssyncadd.s32 $0xFFFFFF80  }
0xdc: {  	s26 =	simm.s32 $0x19110;
	[bflag:$0x0] =	sbarrier.arrive $0xFFFF  }
0xdd: {  	[tilespmem:s26], [sflag:$0x2] =	stream.linear.gather [spmem:s4], $0x800, $0x38;
	[tilespmem:$0x19910] =	vst v63  }
0xde: {  	_ =	swait.ge [sflag:s5], $0x800  }
0xdf: {  	[sflag:s5] =	ssyncset.done $0x0  }
0xe0: {  	[sflag:s5] =	ssyncadd.s32 $0xFFFFF800  }
0xe1: {  	v49 =	vld [tilespmem:$0x19110];
	_ =	sdelay $0x3  }
0xe2: {  	v1 =	vld [tilespmem:$0x19190]  }
0xe3: {  	(v2sf) =	vpush v49, $0x0  }
0xe4: {  	(v2sf) =	vpush v49, $0x1  }
0xe5: {  	(v2sf) =	vpush v49, $0x2  }
0xe6: {  	(v2sf) =	vpush v49, $0x3  }
0xe7: {  	(v2sf) =	vpush v1, $0x0  }
0xe8: {  	(v2sf) =	vpush v1, $0x1  }
0xe9: {  	(v2sf) =	vpush v1, $0x2  }
0xea: {  	v50 =	vld [tilespmem:$0x19210];
	(v2sf) =	vpush v1, $0x3;
	_ =	sdelay $0x3  }
0xeb: {  	v51 =	vld [tilespmem:$0x19290]  }
0xec: {  	(v2sf) =	vpush v50, $0x0  }
0xed: {  	(v2sf) =	vpush v50, $0x1  }
0xee: {  	(v2sf) =	vpush v50, $0x2  }
0xef: {  	v52 =	vld [tilespmem:$0x19310];
	s8 =	spop (v2sf);
	(v2sf) =	vpush v50, $0x3  }
0xf0: {  	s7 =	spop (v2sf);
	(v2sf) =	vpush v51, $0x0  }
0xf1: {  	s28 =	spop (v2sf);
	(v2sf) =	vpush v51, $0x1  }
0xf2: {  	s9 =	spop (v2sf);
	(v2sf) =	vpush v51, $0x2  }
0xf3: {  	s4 =	scvt.f32.s32 s9;
	s9 =	spop (v2sf);
	(v2sf) =	vpush v51, $0x3  }
0xf4: {  	s10 =	spop (v2sf);
	(v2sf) =	vpush v52, $0x0  }
0xf5: {  	s11 =	spop (v2sf);
	(v2sf) =	vpush v52, $0x1  }
0xf6: {  	s12 =	spop (v2sf);
	(v2sf) =	vpush v52, $0x2  }
0xf7: {  	v53 =	vld [tilespmem:$0x19390]  }
0xf8: {  	p0 =	sgt.f32 s8, $-3.000000010e+38;
	p1 =	sgt.f32 s7, $-3.000000010e+38  }
0xf9: {  	s6 =	scvt.f32.s32 s28  }
0xfa: {  	s8 =	simm.s32 @!p0 $0xFF61B1E6;
	s7 =	simm.s32 @!p1 $0xFF61B1E6  }
0xfb: {  	v54 =	vld [tilespmem:$0x19410];
	s6 =	simm.s32 @!p0 $0x0;
	p0 =	sgt.f32 s9, s8;
	s13 =	spop (v2sf);
	(v2sf) =	vpush v52, $0x3  }
0xfc: {  	s4 =	simm.s32 @!p1 $0x0;
	p1 =	sgt.f32 s10, s7;
	s14 =	spop (v2sf);
	(v2sf) =	vpush v53, $0x0  }
0xfd: {  	s11 =	scvt.f32.s32 s11;
	s29 =	spop (v2sf);
	(v2sf) =	vpush v53, $0x1  }
0xfe: {  	s12 =	scvt.f32.s32 s12;
	s30 =	spop (v2sf);
	(v2sf) =	vpush v53, $0x2  }
0xff: {  	v55 =	vld [tilespmem:$0x19490];
	s6 =	smov.u32 @p0 s11;
	s11 =	spop (v2sf);
	(v2sf) =	vpush v53, $0x3  }
0x100: {  	s7 =	smov.u32 @p1 s10;
	s4 =	smov.u32 @p1 s12;
	s12 =	spop (v2sf);
	(v2sf) =	vpush v54, $0x0  }
0x101: {  	s8 =	smov.u32 @p0 s9;
	p1 =	sgt.f32 s14, s7;
	s31 =	spop (v2sf);
	(v2sf) =	vpush v54, $0x1  }
0x102: {  	p0 =	sgt.f32 s13, s8;
	s15 =	spop (v2sf);
	(v2sf) =	vpush v54, $0x2  }
0x103: {  	s9 =	scvt.f32.s32 s29;
	s7 =	smov.u32 @p1 s14;
	s14 =	spop (v2sf);
	(v2sf) =	vpush v54, $0x3  }
0x104: {  	s8 =	smov.u32 @p0 s13;
	s13 =	spop (v2sf);
	(v2sf) =	vpush v55, $0x0  }
0x105: {  	s6 =	smov.u32 @p0 s9;
	s9 =	scvt.f32.s32 s15;
	s15 =	spop (v2sf);
	(v2sf) =	vpush v55, $0x1  }
0x106: {  	s10 =	scvt.f32.s32 s30  }
0x107: {  	v56 =	vld [tilespmem:$0x19510]  }
0x108: {  	p0 =	sgt.f32 s11, s8;
	s4 =	smov.u32 @p1 s10;
	p1 =	sgt.f32 s12, s7  }
0x109: {  	s10 =	scvt.f32.s32 s31  }
0x10a: {  	s8 =	smov.u32 @p0 s11;
	s7 =	smov.u32 @p1 s12;
	s16 =	spop (v2sf);
	(v2sf) =	vpush v55, $0x2  }
0x10b: {  	v57 =	vld [tilespmem:$0x19590];
	s6 =	smov.u32 @p0 s10;
	p0 =	sgt.f32 s14, s8;
	s11 =	spop (v2sf);
	(v2sf) =	vpush v55, $0x3  }
0x10c: {  	s4 =	smov.u32 @p1 s9;
	p1 =	sgt.f32 s13, s7;
	s9 =	spop (v2sf);
	(v2sf) =	vpush v56, $0x0  }
0x10d: {  	s12 =	scvt.f32.s32 s15;
	s17 =	spop (v2sf);
	(v2sf) =	vpush v56, $0x1  }
0x10e: {  	s10 =	scvt.f32.s32 s16;
	s16 =	spop (v2sf);
	(v2sf) =	vpush v56, $0x2  }
0x10f: {  	v58 =	vld [tilespmem:$0x19610];
	s6 =	smov.u32 @p0 s12;
	s12 =	spop (v2sf);
	(v2sf) =	vpush v56, $0x3  }
0x110: {  	s8 =	smov.u32 @p0 s14;
	s4 =	smov.u32 @p1 s10;
	s10 =	spop (v2sf);
	(v2sf) =	vpush v57, $0x0  }
0x111: {  	p0 =	sgt.f32 s11, s8;
	s18 =	spop (v2sf);
	(v2sf) =	vpush v57, $0x1  }
0x112: {  	s7 =	smov.u32 @p1 s13;
	s13 =	scvt.f32.s32 s17;
	s19 =	spop (v2sf);
	(v2sf) =	vpush v57, $0x2  }
0x113: {  	s8 =	smov.u32 @p0 s11;
	s11 =	spop (v2sf);
	(v2sf) =	vpush v57, $0x3  }
0x114: {  	s6 =	smov.u32 @p0 s13;
	s13 =	spop (v2sf);
	(v2sf) =	vpush v58, $0x0;
	_ =	sdelay $0x2  }
0x115: {  	v59 =	vld [tilespmem:$0x19690]  }
0x116: {  	p1 =	sgt.f32 s9, s7  }
0x117: {  	p0 =	sgt.f32 s12, s8;
	s20 =	spop (v2sf);
	(v2sf) =	vpush v58, $0x1  }
0x118: {  	s7 =	smov.u32 @p1 s9;
	s9 =	scvt.f32.s32 s18;
	s21 =	spop (v2sf);
	(v2sf) =	vpush v58, $0x2  }
0x119: {  	v60 =	vld [tilespmem:$0x19710];
	s17 =	spop (v2sf);
	(v2sf) =	vpush v58, $0x3  }
0x11a: {  	s16 =	scvt.f32.s32 s16;
	s6 =	smov.u32 @p0 s9;
	s9 =	spop (v2sf);
	(v2sf) =	vpush v59, $0x0  }
0x11b: {  	s22 =	spop (v2sf);
	(v2sf) =	vpush v59, $0x1  }
0x11c: {  	s4 =	smov.u32 @p1 s16;
	p1 =	sgt.f32 s10, s7;
	s23 =	spop (v2sf);
	(v2sf) =	vpush v59, $0x2  }
0x11d: {  	s15 =	scvt.f32.s32 s19;
	s16 =	spop (v2sf);
	(v2sf) =	vpush v59, $0x3  }
0x11e: {  	s7 =	smov.u32 @p1 s10;
	s18 =	spop (v2sf);
	(v2sf) =	vpush v60, $0x0  }
0x11f: {  	s4 =	smov.u32 @p1 s15;
	p1 =	sgt.f32 s13, s7;
	s24 =	spop (v2sf);
	(v2sf) =	vpush v60, $0x1  }
0x120: {  	s25 =	spop (v2sf);
	(v2sf) =	vpush v60, $0x2  }
0x121: {  	v61 =	vld [tilespmem:$0x19790];
	s7 =	smov.u32 @p1 s13;
	s13 =	spop (v2sf);
	(v2sf) =	vpush v60, $0x3;
	_ =	sdelay $0x2  }
0x122: {  	s8 =	smov.u32 @p0 s12  }
0x123: {  	v62 =	vld [tilespmem:$0x19810];
	p0 =	sgt.f32 s11, s8;
	s14 =	scvt.f32.s32 s21  }
0x124: {  	s12 =	scvt.f32.s32 s20;
	s15 =	spop (v2sf);
	(v2sf) =	vpush v61, $0x0  }
0x125: {  	s4 =	smov.u32 @p1 s14;
	p1 =	sgt.f32 s9, s7;
	s26 =	spop (v2sf);
	(v2sf) =	vpush v61, $0x1  }
0x126: {  	s8 =	smov.u32 @p0 s11;
	s14 =	scvt.f32.s32 s23;
	s28 =	spop (v2sf);
	(v2sf) =	vpush v61, $0x2  }
0x127: {  	v63 =	vld [tilespmem:$0x19890];
	s6 =	smov.u32 @p0 s12;
	p0 =	sgt.f32 s17, s8;
	s11 =	spop (v2sf);
	(v2sf) =	vpush v61, $0x3  }
0x128: {  	s7 =	smov.u32 @p1 s9;
	s4 =	smov.u32 @p1 s14;
	s14 =	spop (v2sf);
	(v2sf) =	vpush v62, $0x0  }
0x129: {  	p1 =	sgt.f32 s18, s7;
	s29 =	spop (v2sf);
	(v2sf) =	vpush v62, $0x1  }
0x12a: {  	s10 =	scvt.f32.s32 s22;
	s30 =	spop (v2sf);
	(v2sf) =	vpush v62, $0x2  }
0x12b: {  	s8 =	smov.u32 @p0 s17;
	s7 =	smov.u32 @p1 s18;
	s18 =	spop (v2sf);
	(v2sf) =	vpush v62, $0x3  }
0x12c: {  	s6 =	smov.u32 @p0 s10;
	p0 =	sgt.f32 s16, s8;
	s19 =	spop (v2sf);
	(v2sf) =	vpush v63, $0x0  }
0x12d: {  	s9 =	scvt.f32.s32 s24;
	s31 =	spop (v2sf);
	(v2sf) =	vpush v63, $0x1  }
0x12e: {  	s8 =	smov.u32 @p0 s16;
	s12 =	scvt.f32.s32 s25;
	s20 =	spop (v2sf);
	(v2sf) =	vpush v63, $0x2  }
0x12f: {  	s6 =	smov.u32 @p0 s9;
	p0 =	sgt.f32 s13, s8  }
0x130: {  	s4 =	smov.u32 @p1 s12;
	p1 =	sgt.f32 s15, s7;
	s12 =	scvt.f32.s32 s26  }
0x131: {  	s8 =	smov.u32 @p0 s13;
	s10 =	scvt.f32.s32 s28  }
0x132: {  	s7 =	smov.u32 @p1 s15;
	s6 =	smov.u32 @p0 s12;
	p0 =	sgt.f32 s11, s8  }
0x133: {  	s4 =	smov.u32 @p1 s10;
	s16 =	scvt.f32.s32 s29;
	s12 =	spop (v2sf)  }
0x134: {  	p1 =	sgt.f32 s14, s7;
	s8 =	smov.u32 @p0 s11;
	s15 =	spop (v2sf)  }
0x135: {  	s6 =	smov.u32 @p0 s16;
	p0 =	sgt.f32 s18, s8;
	s21 =	spop (v2sf)  }
0x136: {  	s9 =	scvt.f32.s32 s30;
	s22 =	spop (v2sf)  }
0x137: {  	s7 =	smov.u32 @p1 s14;
	s8 =	smov.u32 @p0 s18;
	s16 =	spop (v2sf)  }
0x138: {  	s4 =	smov.u32 @p1 s9;
	p1 =	sgt.f32 s12, s8;
	s14 =	spop (v2sf)  }
0x139: {  	s17 =	scvt.f32.s32 s31;
	s23 =	spop (v2sf)  }
0x13a: {  	s10 =	scvt.f32.s32 s21;
	s8 =	smov.u32 @p1 s12;
	s24 =	spop (v2sf)  }
0x13b: {  	s6 =	smov.u32 @p0 s17;
	(v2sf) =	vpush v63, $0x3;
	p0 =	sgt.f32 s16, s8;
	s25 =	spop (v2sf)  }
0x13c: {  	s6 =	smov.u32 @p1 s10;
	s9 =	scvt.f32.s32 s23;
	s26 =	spop (v2sf)  }
0x13d: {  	p1 =	sgt.f32 s19, s7;
	s8 =	smov.u32 @p0 s16;
	s28 =	spop (v2sf)  }
0x13e: {  	s6 =	smov.u32 @p0 s9;
	p0 =	sgt.f32 s25, s8;
	s9 =	scvt.f32.s32 s28  }
0x13f: {  	s10 =	scvt.f32.s32 s20;
	s7 =	smov.u32 @p1 s19  }
0x140: {  	s11 =	scvt.f32.s32 s22;
	s6 =	smov.u32 @p0 s9;
	p0 =	sgt.f32 s15, s7  }
0x141: {  	s4 =	smov.u32 @p1 s10;
	s29 =	sand.u32 $0x3F, s6;
	p5 =	slt.s32 s6, $0x1  }
0x142: {  	s30 =	sshra.s32 s6, $0x1F;
	s7 =	smov.u32 @p0 s15;
	s4 =	smov.u32 @p0 s11  }
0x143: {  	p6 =	sne.s32 s29, $0x0;
	s13 =	sshrl.u32 s30, $0x1A;
	p0 =	sgt.f32 s14, s7  }
0x144: {  	p1 =	por !p5, !p6;
	s13 =	sadd.s32 s13, s6  }
0x145: {  	p1 =	por !p1, !p1;
	s7 =	smov.u32 @p0 s14;
	s14 =	simm.s32 $0x1  }
0x146: {  	s15 =	scvt.f32.s32 s24;
	s13 =	sshra.s32 s13, $0x6;
	s14 =	simm.s32 @!p1 $0x0  }
0x147: {  	s13 =	ssub.s32 s13, s14  }
0x148: {  	s4 =	smov.u32 @p0 s15;
	p0 =	sne.s32 s2, s13  }
.Ltmp4:
0x149: {  	_ = 	snop;
	(pc) =	sbr.rel @p0 .LBB2_10-.Ltmp4, $4  }
0x14a: {  	s12 =	sadd.s32 $0x400, s1;
	s10 =	sadd.s32 $0x300, s1;
	s31 =	spop (v2sf)  }
0x14b: {  	s8 =	sadd.s32 $0x200, s1;
	s16 =	scvt.f32.s32 s31;
	p1 =	sgt.f32 s26, s7  }
0x14c: {  	s9 =	sadd.s32 $0x100, s1;
	s11 =	sadd.s32 $0x500, s1;
	s7 =	sadd.s32 $0x600, s1  }
0x14d: {  	s14 =	simm.s32 $0x1;
	s13 =	sadd.s32 $0x700, s1;
	s4 =	smov.u32 @p1 s16  }
0x14e: {  	v0 =	vmov s6  }
0x14f: {  	v1 =	vshll.u32 v0, $0x4  }
0x150: {  	v3 =	vlaneseq.u32;
	v2 =	vand.u32 $0x7, v0;
	v1 =	vand.u32 $0xFFFFFF80, v1  }
0x151: {  	v62 =	vand.u32 $0x7, v3;
	v4 =	vshrl.u32 v3, $0x3;
	v1 =	vor.u32 v2, v1  }
0x152: {  	v4 =	vmul.u32 $0x8, v4;
	v2 =	vperm.xlane v1, v62;
	_ =	sdelay $0x1  }
0x153: {  	v2 =	vadd.s32 v4, v2;
	_ =	sdelay $0x3  }
0x154: {  	vm0 =	vmmov $0xffff;
	s6 =	simm.s32 $0x0;
	s15 =	simm.s32 $0x11000;
	[tilespmem:$0x19090] =	vst v0  }
0x155: {  	[tilespmem:s15], [sflag:$0x1] =	stream.indirect_vreg.gather [hbm4b:s1+s6], $0x80, v2, vm0, $0xb8;
	[tilespmem:$0x19910] =	vst v63  }
0x156: {  	s16 =	simm.s32 $0x11800  }
0x157: {  	[tilespmem:s16], [sflag:$0x1] =	stream.indirect_vreg.gather [hbm4b:s9+s6], $0x80, v2, vm0, $0xb8;
	[tilespmem:$0x19910] =	vst v63  }
0x158: {  	s17 =	simm.s32 $0x12000  }
0x159: {  	[tilespmem:s17], [sflag:$0x1] =	stream.indirect_vreg.gather [hbm4b:s8+s6], $0x80, v2, vm0, $0xb8;
	[tilespmem:$0x19910] =	vst v63  }
0x15a: {  	s18 =	simm.s32 $0x12800  }
0x15b: {  	[tilespmem:s18], [sflag:$0x1] =	stream.indirect_vreg.gather [hbm4b:s10+s6], $0x80, v2, vm0, $0xb8;
	[tilespmem:$0x19910] =	vst v63  }
0x15c: {  	s19 =	simm.s32 $0x13000  }
0x15d: {  	v63 =	vor.u32 $0x8, v3;
	[tilespmem:s19], [sflag:$0x1] =	stream.indirect_vreg.gather [hbm4b:s12+s6], $0x80, v2, vm0, $0xb8;
	[tilespmem:$0x19910] =	vst v63  }
0x15e: {  	s20 =	simm.s32 $0x13800;
	v0 =	vperm.xlane v1, v63  }
0x15f: {  	[tilespmem:s20], [sflag:$0x1] =	stream.indirect_vreg.gather [hbm4b:s11+s6], $0x80, v2, vm0, $0xb8;
	[tilespmem:$0x19910] =	vst v63  }
0x160: {  	s21 =	simm.s32 $0x14000;
	v0 =	vadd.s32 v4, v0  }
0x161: {  	[tilespmem:s21], [sflag:$0x1] =	stream.indirect_vreg.gather [hbm4b:s7+s6], $0x80, v2, vm0, $0xb8;
	[tilespmem:$0x19910] =	vst v63  }
0x162: {  	s22 =	simm.s32 $0x14800  }
0x163: {  	[tilespmem:s22], [sflag:$0x1] =	stream.indirect_vreg.gather [hbm4b:s13+s6], $0x80, v2, vm0, $0xb8;
	[tilespmem:$0x19910] =	vst v63  }
0x164: {  	s23 =	simm.s32 $0x15000  }
0x165: {  	[tilespmem:s23], [sflag:$0x1] =	stream.indirect_vreg.gather [hbm4b:s1+s6], $0x80, v0, vm0, $0xb8;
	[tilespmem:$0x19910] =	vst v63  }
0x166: {  	s29 =	simm.s32 $0x15800  }
0x167: {  	[tilespmem:s29], [sflag:$0x1] =	stream.indirect_vreg.gather [hbm4b:s9+s6], $0x80, v0, vm0, $0xb8;
	[tilespmem:$0x19910] =	vst v63  }
0x168: {  	s30 =	simm.s32 $0x16000  }
0x169: {  	[tilespmem:s30], [sflag:$0x1] =	stream.indirect_vreg.gather [hbm4b:s8+s6], $0x80, v0, vm0, $0xb8;
	[tilespmem:$0x19910] =	vst v63  }
0x16a: {  	s31 =	simm.s32 $0x16800  }
0x16b: {  	[tilespmem:s31], [sflag:$0x1] =	stream.indirect_vreg.gather [hbm4b:s10+s6], $0x80, v0, vm0, $0xb8;
	[tilespmem:$0x19910] =	vst v63  }
0x16c: {  	s24 =	simm.s32 $0x17000  }
0x16d: {  	[tilespmem:s24], [sflag:$0x1] =	stream.indirect_vreg.gather [hbm4b:s12+s6], $0x80, v0, vm0, $0xb8;
	[tilespmem:$0x19910] =	vst v63  }
0x16e: {  	s25 =	simm.s32 $0x17800  }
0x16f: {  	[tilespmem:s25], [sflag:$0x1] =	stream.indirect_vreg.gather [hbm4b:s11+s6], $0x80, v0, vm0, $0xb8;
	[tilespmem:$0x19910] =	vst v63  }
0x170: {  	s26 =	simm.s32 $0x18000  }
0x171: {  	[tilespmem:s26], [sflag:$0x1] =	stream.indirect_vreg.gather [hbm4b:s7+s6], $0x80, v0, vm0, $0xb8;
	[tilespmem:$0x19910] =	vst v63  }
0x172: {  	s28 =	simm.s32 $0x18800  }
0x173: {  	[tilespmem:s28], [sflag:$0x1] =	stream.indirect_vreg.gather [hbm4b:s13+s6], $0x80, v0, vm0, $0xb8;
	[tilespmem:$0x19910] =	vst v63  }
0x174: {  	_ =	swait.ge [sflag:s14], $0x8000  }
0x175: {  	[sflag:s14] =	ssyncset.done $0x0  }
0x176: {  	[sflag:s14] =	ssyncadd.s32 $0xFFFF8000  }
0x177: {  	[hbm4b:s3+s6] =	stream.linear.scatter [tilespmem:s15], [sflag:$0x2], $0x80, $0x38;
	[tilespmem:$0x19910] =	vst v63  }
0x178: {  	s29 =	sadd.s32 $0x20, s3;
	s30 =	simm.s32 $0x11400  }
0x179: {  	[hbm4b:s29+s6] =	stream.linear.scatter [tilespmem:s30], [sflag:$0x2], $0x80, $0x38;
	[tilespmem:$0x19910] =	vst v63  }
0x17a: {  	s31 =	sadd.s32 $0x40, s3  }
0x17b: {  	[hbm4b:s31+s6] =	stream.linear.scatter [tilespmem:s16], [sflag:$0x2], $0x80, $0x38;
	[tilespmem:$0x19910] =	vst v63  }
0x17c: {  	s23 =	sadd.s32 $0x60, s3;
	s24 =	simm.s32 $0x11C00  }
0x17d: {  	[hbm4b:s23+s6] =	stream.linear.scatter [tilespmem:s24], [sflag:$0x2], $0x80, $0x38;
	[tilespmem:$0x19910] =	vst v63  }
0x17e: {  	s25 =	sadd.s32 $0x80, s3  }
0x17f: {  	[hbm4b:s25+s6] =	stream.linear.scatter [tilespmem:s17], [sflag:$0x2], $0x80, $0x38;
	[tilespmem:$0x19910] =	vst v63  }
0x180: {  	s26 =	sadd.s32 $0xA0, s3;
	s28 =	simm.s32 $0x12400  }
0x181: {  	[hbm4b:s26+s6] =	stream.linear.scatter [tilespmem:s28], [sflag:$0x2], $0x80, $0x38;
	[tilespmem:$0x19910] =	vst v63  }
0x182: {  	s29 =	sadd.s32 $0xC0, s3  }
0x183: {  	[hbm4b:s29+s6] =	stream.linear.scatter [tilespmem:s18], [sflag:$0x2], $0x80, $0x38;
	[tilespmem:$0x19910] =	vst v63  }
0x184: {  	s30 =	sadd.s32 $0xE0, s3;
	s31 =	simm.s32 $0x12C00  }
0x185: {  	[hbm4b:s30+s6] =	stream.linear.scatter [tilespmem:s31], [sflag:$0x2], $0x80, $0x38;
	[tilespmem:$0x19910] =	vst v63  }
0x186: {  	s16 =	sadd.s32 $0x100, s3  }
0x187: {  	[hbm4b:s16+s6] =	stream.linear.scatter [tilespmem:s19], [sflag:$0x2], $0x80, $0x38;
	[tilespmem:$0x19910] =	vst v63  }
0x188: {  	s17 =	sadd.s32 $0x120, s3;
	s18 =	simm.s32 $0x13400  }
0x189: {  	[hbm4b:s17+s6] =	stream.linear.scatter [tilespmem:s18], [sflag:$0x2], $0x80, $0x38;
	[tilespmem:$0x19910] =	vst v63  }
0x18a: {  	s19 =	sadd.s32 $0x140, s3  }
0x18b: {  	[hbm4b:s19+s6] =	stream.linear.scatter [tilespmem:s20], [sflag:$0x2], $0x80, $0x38;
	[tilespmem:$0x19910] =	vst v63  }
0x18c: {  	s23 =	sadd.s32 $0x160, s3;
	s24 =	simm.s32 $0x13C00  }
0x18d: {  	[hbm4b:s23+s6] =	stream.linear.scatter [tilespmem:s24], [sflag:$0x2], $0x80, $0x38;
	[tilespmem:$0x19910] =	vst v63  }
0x18e: {  	s25 =	sadd.s32 $0x180, s3  }
0x18f: {  	[hbm4b:s25+s6] =	stream.linear.scatter [tilespmem:s21], [sflag:$0x2], $0x80, $0x38;
	[tilespmem:$0x19910] =	vst v63  }
0x190: {  	s26 =	sadd.s32 $0x1A0, s3;
	s28 =	simm.s32 $0x14400  }
0x191: {  	[hbm4b:s26+s6] =	stream.linear.scatter [tilespmem:s28], [sflag:$0x2], $0x80, $0x38;
	[tilespmem:$0x19910] =	vst v63  }
0x192: {  	s29 =	sadd.s32 $0x1C0, s3  }
0x193: {  	[hbm4b:s29+s6] =	stream.linear.scatter [tilespmem:s22], [sflag:$0x2], $0x80, $0x38;
	[tilespmem:$0x19910] =	vst v63  }
0x194: {  	s30 =	sadd.s32 $0x1E0, s3;
	s31 =	simm.s32 $0x14C00  }
0x195: {  	[hbm4b:s30+s6] =	stream.linear.scatter [tilespmem:s31], [sflag:$0x2], $0x80, $0x38;
	[tilespmem:$0x19910] =	vst v63  }
0x196: {  	_ =	swait.ge [sflag:s5], $0x800  }
0x197: {  	[sflag:s5] =	ssyncset.done $0x0  }
0x198: {  	[sflag:s5] =	ssyncadd.s32 $0xFFFFF800  }
.LBB2_10:
0x199: {  	s5 =	sand.u32 $0x3F, s4  }
0x19a: {  	s6 =	sshra.s32 s4, $0x1F;
	p0 =	slt.s32 s4, $0x1;
	p1 =	sne.s32 s5, $0x0  }
0x19b: {  	s31 =	sshrl.u32 s6, $0x1A;
	p0 =	por !p0, !p1  }
0x19c: {  	s5 =	sadd.s32 s31, s4;
	p0 =	por !p0, !p0  }
0x19d: {  	s5 =	sshra.s32 s5, $0x6;
	s14 =	simm.s32 @!p0 $0x0  }
0x19e: {  	s5 =	ssub.s32 s5, s14  }
0x19f: {  	p0 =	sne.s32 s2, s5  }
.Ltmp5:
0x1a0: {  	_ = 	snop;
	(pc) =	sbr.rel @p0 .LBB2_12-.Ltmp5, $1  }
0x1a1: {  	_ =	sdelay $0x3  }
0x1a2: {  	v0 =	vmov s4  }
0x1a3: {  	v1 =	vshll.u32 v0, $0x4  }
0x1a4: {  	v3 =	vlaneseq.u32;
	v2 =	vand.u32 $0x7, v0;
	v1 =	vand.u32 $0xFFFFFF80, v1  }
0x1a5: {  	v62 =	vand.u32 $0x7, v3;
	v4 =	vshrl.u32 v3, $0x3;
	v1 =	vor.u32 v2, v1  }
0x1a6: {  	v4 =	vmul.u32 $0x8, v4;
	v2 =	vperm.xlane v1, v62;
	_ =	sdelay $0x1  }
0x1a7: {  	v2 =	vadd.s32 v4, v2;
	_ =	sdelay $0x3  }
0x1a8: {  	vm0 =	vmmov $0xffff;
	s4 =	simm.s32 $0x0;
	s5 =	simm.s32 $0x11000;
	[tilespmem:$0x19090] =	vst v0  }
0x1a9: {  	[tilespmem:s5], [sflag:$0x1] =	stream.indirect_vreg.gather [hbm4b:s1+s4], $0x80, v2, vm0, $0xb8;
	[tilespmem:$0x19910] =	vst v63  }
0x1aa: {  	s6 =	simm.s32 $0x11800  }
0x1ab: {  	[tilespmem:s6], [sflag:$0x1] =	stream.indirect_vreg.gather [hbm4b:s9+s4], $0x80, v2, vm0, $0xb8;
	[tilespmem:$0x19910] =	vst v63  }
0x1ac: {  	s14 =	simm.s32 $0x12000  }
0x1ad: {  	[tilespmem:s14], [sflag:$0x1] =	stream.indirect_vreg.gather [hbm4b:s8+s4], $0x80, v2, vm0, $0xb8;
	[tilespmem:$0x19910] =	vst v63  }
0x1ae: {  	s15 =	simm.s32 $0x12800  }
0x1af: {  	[tilespmem:s15], [sflag:$0x1] =	stream.indirect_vreg.gather [hbm4b:s10+s4], $0x80, v2, vm0, $0xb8;
	[tilespmem:$0x19910] =	vst v63  }
0x1b0: {  	s16 =	simm.s32 $0x13000  }
0x1b1: {  	v63 =	vor.u32 $0x8, v3;
	[tilespmem:s16], [sflag:$0x1] =	stream.indirect_vreg.gather [hbm4b:s12+s4], $0x80, v2, vm0, $0xb8;
	[tilespmem:$0x19910] =	vst v63  }
0x1b2: {  	s17 =	simm.s32 $0x13800;
	v0 =	vperm.xlane v1, v63  }
0x1b3: {  	[tilespmem:s17], [sflag:$0x1] =	stream.indirect_vreg.gather [hbm4b:s11+s4], $0x80, v2, vm0, $0xb8;
	[tilespmem:$0x19910] =	vst v63  }
0x1b4: {  	s18 =	simm.s32 $0x14000;
	v0 =	vadd.s32 v4, v0  }
0x1b5: {  	[tilespmem:s18], [sflag:$0x1] =	stream.indirect_vreg.gather [hbm4b:s7+s4], $0x80, v2, vm0, $0xb8;
	[tilespmem:$0x19910] =	vst v63  }
0x1b6: {  	s19 =	simm.s32 $0x14800  }
0x1b7: {  	[tilespmem:s19], [sflag:$0x1] =	stream.indirect_vreg.gather [hbm4b:s13+s4], $0x80, v2, vm0, $0xb8;
	[tilespmem:$0x19910] =	vst v63  }
0x1b8: {  	s20 =	simm.s32 $0x15000  }
0x1b9: {  	[tilespmem:s20], [sflag:$0x1] =	stream.indirect_vreg.gather [hbm4b:s1+s4], $0x80, v0, vm0, $0xb8;
	[tilespmem:$0x19910] =	vst v63  }
0x1ba: {  	s21 =	simm.s32 $0x15800  }
0x1bb: {  	[tilespmem:s21], [sflag:$0x1] =	stream.indirect_vreg.gather [hbm4b:s9+s4], $0x80, v0, vm0, $0xb8;
	[tilespmem:$0x19910] =	vst v63  }
0x1bc: {  	s22 =	simm.s32 $0x16000  }
0x1bd: {  	[tilespmem:s22], [sflag:$0x1] =	stream.indirect_vreg.gather [hbm4b:s8+s4], $0x80, v0, vm0, $0xb8;
	[tilespmem:$0x19910] =	vst v63  }
0x1be: {  	s23 =	simm.s32 $0x16800  }
0x1bf: {  	[tilespmem:s23], [sflag:$0x1] =	stream.indirect_vreg.gather [hbm4b:s10+s4], $0x80, v0, vm0, $0xb8;
	[tilespmem:$0x19910] =	vst v63  }
0x1c0: {  	s24 =	simm.s32 $0x17000  }
0x1c1: {  	[tilespmem:s24], [sflag:$0x1] =	stream.indirect_vreg.gather [hbm4b:s12+s4], $0x80, v0, vm0, $0xb8;
	[tilespmem:$0x19910] =	vst v63  }
0x1c2: {  	s25 =	simm.s32 $0x17800  }
0x1c3: {  	[tilespmem:s25], [sflag:$0x1] =	stream.indirect_vreg.gather [hbm4b:s11+s4], $0x80, v0, vm0, $0xb8;
	[tilespmem:$0x19910] =	vst v63  }
0x1c4: {  	s26 =	simm.s32 $0x18000  }
0x1c5: {  	[tilespmem:s26], [sflag:$0x1] =	stream.indirect_vreg.gather [hbm4b:s7+s4], $0x80, v0, vm0, $0xb8;
	[tilespmem:$0x19910] =	vst v63  }
0x1c6: {  	s28 =	simm.s32 $0x18800;
	s29 =	simm.s32 $0x1  }
0x1c7: {  	[tilespmem:s28], [sflag:$0x1] =	stream.indirect_vreg.gather [hbm4b:s13+s4], $0x80, v0, vm0, $0xb8;
	[tilespmem:$0x19910] =	vst v63  }
0x1c8: {  	_ =	swait.ge [sflag:s29], $0x8000  }
0x1c9: {  	[sflag:s29] =	ssyncset.done $0x0  }
0x1ca: {  	s3 =	sadd.s32 $0x10, s3;
	[sflag:s29] =	ssyncadd.s32 $0xFFFF8000  }
0x1cb: {  	[hbm4b:s3+s4] =	stream.linear.scatter [tilespmem:s5], [sflag:$0x2], $0x80, $0x38;
	[tilespmem:$0x19910] =	vst v63  }
0x1cc: {  	s31 =	simm.s32 $0x11400;
	s30 =	sadd.s32 $0x20, s3  }
0x1cd: {  	[hbm4b:s30+s4] =	stream.linear.scatter [tilespmem:s31], [sflag:$0x2], $0x80, $0x38;
	[tilespmem:$0x19910] =	vst v63  }
0x1ce: {  	s5 =	sadd.s32 $0x40, s3  }
0x1cf: {  	[hbm4b:s5+s4] =	stream.linear.scatter [tilespmem:s6], [sflag:$0x2], $0x80, $0x38;
	[tilespmem:$0x19910] =	vst v63  }
0x1d0: {  	s8 =	simm.s32 $0x11C00;
	s7 =	sadd.s32 $0x60, s3  }
0x1d1: {  	[hbm4b:s7+s4] =	stream.linear.scatter [tilespmem:s8], [sflag:$0x2], $0x80, $0x38;
	[tilespmem:$0x19910] =	vst v63  }
0x1d2: {  	s9 =	sadd.s32 $0x80, s3  }
0x1d3: {  	[hbm4b:s9+s4] =	stream.linear.scatter [tilespmem:s14], [sflag:$0x2], $0x80, $0x38;
	[tilespmem:$0x19910] =	vst v63  }
0x1d4: {  	s10 =	sadd.s32 $0xA0, s3;
	s11 =	simm.s32 $0x12400  }
0x1d5: {  	[hbm4b:s10+s4] =	stream.linear.scatter [tilespmem:s11], [sflag:$0x2], $0x80, $0x38;
	[tilespmem:$0x19910] =	vst v63  }
0x1d6: {  	s12 =	sadd.s32 $0xC0, s3  }
0x1d7: {  	[hbm4b:s12+s4] =	stream.linear.scatter [tilespmem:s15], [sflag:$0x2], $0x80, $0x38;
	[tilespmem:$0x19910] =	vst v63  }
0x1d8: {  	s13 =	sadd.s32 $0xE0, s3;
	s14 =	simm.s32 $0x12C00  }
0x1d9: {  	[hbm4b:s13+s4] =	stream.linear.scatter [tilespmem:s14], [sflag:$0x2], $0x80, $0x38;
	[tilespmem:$0x19910] =	vst v63  }
0x1da: {  	s15 =	sadd.s32 $0x100, s3  }
0x1db: {  	[hbm4b:s15+s4] =	stream.linear.scatter [tilespmem:s16], [sflag:$0x2], $0x80, $0x38;
	[tilespmem:$0x19910] =	vst v63  }
0x1dc: {  	s20 =	simm.s32 $0x13400;
	s16 =	sadd.s32 $0x120, s3  }
0x1dd: {  	[hbm4b:s16+s4] =	stream.linear.scatter [tilespmem:s20], [sflag:$0x2], $0x80, $0x38;
	[tilespmem:$0x19910] =	vst v63  }
0x1de: {  	s21 =	sadd.s32 $0x140, s3  }
0x1df: {  	[hbm4b:s21+s4] =	stream.linear.scatter [tilespmem:s17], [sflag:$0x2], $0x80, $0x38;
	[tilespmem:$0x19910] =	vst v63  }
0x1e0: {  	s22 =	sadd.s32 $0x160, s3;
	s23 =	simm.s32 $0x13C00  }
0x1e1: {  	[hbm4b:s22+s4] =	stream.linear.scatter [tilespmem:s23], [sflag:$0x2], $0x80, $0x38;
	[tilespmem:$0x19910] =	vst v63  }
0x1e2: {  	s24 =	sadd.s32 $0x180, s3  }
0x1e3: {  	[hbm4b:s24+s4] =	stream.linear.scatter [tilespmem:s18], [sflag:$0x2], $0x80, $0x38;
	[tilespmem:$0x19910] =	vst v63  }
0x1e4: {  	s25 =	sadd.s32 $0x1A0, s3;
	s26 =	simm.s32 $0x14400  }
0x1e5: {  	[hbm4b:s25+s4] =	stream.linear.scatter [tilespmem:s26], [sflag:$0x2], $0x80, $0x38;
	[tilespmem:$0x19910] =	vst v63  }
0x1e6: {  	s28 =	sadd.s32 $0x1C0, s3  }
0x1e7: {  	[hbm4b:s28+s4] =	stream.linear.scatter [tilespmem:s19], [sflag:$0x2], $0x80, $0x38;
	[tilespmem:$0x19910] =	vst v63  }
0x1e8: {  	s29 =	sadd.s32 $0x1E0, s3;
	s30 =	simm.s32 $0x14C00;
	s31 =	simm.s32 $0x2  }
0x1e9: {  	[hbm4b:s29+s4] =	stream.linear.scatter [tilespmem:s30], [sflag:$0x2], $0x80, $0x38;
	[tilespmem:$0x19910] =	vst v63  }
0x1ea: {  	_ =	swait.ge [sflag:s31], $0x800  }
0x1eb: {  	[sflag:s31] =	ssyncset.done $0x0  }
0x1ec: {  	[sflag:s31] =	ssyncadd.s32 $0xFFFFF800  }
.LBB2_12:
0x1ed: {  	_ =	sfence.sel $0x180000  }
0x1ee: {  	[bflag:$0x0] =	sbarrier.arrive $0xFFFF  }
0x1ef: {  	p0 =	sne.s32 s2, $0x0;
	_ =	strace $0x90000047  }
0x1f0: {  	s0 =	sadd.s32 @!p0 $0x100000, s0;
	[bflag:$0x2] =	sbarrier.arrive $0xFFFF  }
0x1f1: {  	[sflag:s0] =	ssyncadd.tile.s32 @!p0 $0x1;
	_ =	shalt  }
.Lfunc_end2:
_tile_overlayer_lowered:
.L_overlay_start_2:
0x1f2: {  	(tag) =	ssettag $0x2  }
0x1f3: {  	s0 =	rddreg [dreg:$0x0];
	s2 =	stileid.u32  }
0x1f4: {  	s1 =	rddreg [dreg:$0x1];
	p0 =	sne.s32 s2, $0x0  }
0x1f5: {  	s3 =	rddreg [dreg:$0x2];
	[bflag:$0x3] =	sbarrier.arrive $0xFFFF;
	s2 =	simm.s32 @!p0 $0x1C02  }
0x1f6: {  	[timem:s3], [sflag:s2] =	dma.local @!p0 [hbm:s0], s1  }
0x1f7: {  	s0 =	simm.s32 @!p0 $0x2  }
0x1f8: {  	_ =	swait.ge @!p0 [sflag:s0], s1  }
0x1f9: {  	s1 =	ssub.s32 @!p0 $0x0, s1;
	[sflag:s0] =	ssyncset.done @!p0 $0x0  }
0x1fa: {  	[sflag:s0] =	ssyncadd.s32 @!p0 s1  }
0x1fb: {  	[bflag:$0x3] =	sbarrier.arrive $0xFFFF  }
0x1fc: {  	_ =	shalt  }

</sc_bundles>
